<compile_context>
chip_gen: v7x
topology: tpu7x:2x2x1
jax: 0.10.2.dev20260603
libtpu: 0.0.44.dev20260713+nightly
codegen_flags: <defaults>
</compile_context>

<pallas_src>
import functools

import jax
import jax.numpy as jnp
from jax import lax
from jax.experimental import pallas as pl
from jax.experimental.pallas import tpu as pltpu
from jax.experimental.pallas import tpu_sc as plsc

B = 16384
D = 32
V = 1000001
NC = 2
NS = 16
L = 16
NW = NC * NS
BPW = B // NW
NB = 16
NSTEP = BPW // NB


def _make_kernel():
  mesh = plsc.VectorSubcoreMesh(core_axis_name="c", subcore_axis_name="s",
                                num_cores=NC, num_subcores=NS)

  @functools.partial(
      pl.kernel,
      out_type=jax.ShapeDtypeStruct((B * D,), jnp.float32),
      mesh=mesh,
      scratch_types=[
          pltpu.VMEM((BPW + L,), jnp.int32),
          pltpu.VMEM((BPW * D,), jnp.float32),
          [pltpu.VMEM((D, 128), jnp.float32) for _ in range(NB)],
          pltpu.SemaphoreType.DMA,
      ],
      compiler_params=pltpu.CompilerParams(use_tc_tiling_on_sc=True,
                                           needs_layout_passes=False),
  )
  def gather_kernel(act_hbm, tt_hbm, out_hbm, idx_v, rows_v, ring, sem):
    wid = lax.axis_index("s") * NC + lax.axis_index("c")
    base = wid * BPW
    pltpu.sync_copy(act_hbm.at[pl.ds(base, BPW)], idx_v.at[pl.ds(0, BPW)])

    d_lo = lax.iota(jnp.int32, L)
    d_hi = d_lo + L
    half = NB // 2

    def fire(i, g):
      vv = idx_v[pl.ds(i * half, L)] + 1
      for j in range(half):
        r = vv[j]
        c128 = pl.multiple_of((r // 128) * 128, 128)
        pltpu.async_copy(tt_hbm.at[:, pl.ds(c128, 128)], ring[g * half + j],
                         sem)

    def extract(i, g):
      vv = idx_v[pl.ds(i * half, L)] + 1
      for j in range(half):
        pltpu.make_async_copy(tt_hbm.at[:, pl.ds(0, 128)],
                              ring[g * half + j], sem).wait()
        lane = jnp.full((L,), vv[j] % 128, jnp.int32)
        lo = plsc.load_gather(ring[g * half + j], [d_lo, lane])
        hi = plsc.load_gather(ring[g * half + j], [d_hi, lane])
        off = (i * half + j) * D
        rows_v[pl.ds(off, L)] = lo
        rows_v[pl.ds(off + L, L)] = hi

    nstep2 = BPW // half
    fire(0, 0)

    def step(k):
      fire(2 * k + 1, 1)
      extract(2 * k, 0)

      @pl.when(2 * k + 2 < nstep2)
      def _():
        fire(2 * k + 2, 0)

      extract(2 * k + 1, 1)

    pl.loop(0, nstep2 // 2)(step)
    pltpu.sync_copy(rows_v, out_hbm.at[pl.ds(base * D, BPW * D)])

  return gather_kernel


_gather = _make_kernel()


@jax.jit
def kernel(action, table):
  act = action.reshape(B)
  flat = _gather(act, table.T)
  return flat.reshape(B, D)

# --- scband reference (transcript-rebuilt; emitter-appended) ---
"""Pipeline reference for scband-action-embedding-23510650978935 (READ-ONLY COPY).

The authoritative reference and input builder live on the scoring server;
editing this copy changes nothing except your own understanding.
"""

import jax, jax.numpy as jnp
import numpy as np

NUM_ACTIONS = 1000000  # gym.spaces.Discrete(n)
DIM_PER_ACTION = 32
BATCH = 16384

def setup_inputs(seed: int = 0) -> dict:
    key = jax.random.key(seed)
    k1, k2 = jax.random.split(key)
    action = jax.random.randint(k1, (BATCH, 1), 0, NUM_ACTIONS, dtype=jnp.int64 if jax.config.jax_enable_x64 else jnp.int32).astype(jnp.int32)
    # nn.Embedding(action_space.n + 1, dim_per_action), default init N(0,1)
    table = jax.random.normal(k2, (NUM_ACTIONS + 1, DIM_PER_ACTION), dtype=jnp.float32)
    return {"action": action, "table": table}

def reference(action, table):
    # ActionEmbedding with a single DiscreteActionEmbedding submodule:
    #   sliced = action[..., 0:1]; idx = sliced.long() + 1; emb = embedding(idx.squeeze(-1))
    sliced = action[..., 0:1]
    idx = sliced.astype(jnp.int32) + 1
    idx = jnp.squeeze(idx, axis=-1)
    emb = jnp.take(table, idx, axis=0)
    # torch.cat over single module output is identity
    return emb

if __name__ == "__main__":
    import jax
    _d = setup_inputs()
    print(jax.jit(kernel)(*tuple(_d.values())))

</pallas_src>

<mosaic_0001>
#map = affine_map<(d0, d1) -> (0)>
#map1 = affine_map<(d0, d1) -> (0, 0)>
module attributes {stable_mosaic.version = 14 : i64} {
  func.func @gather_kernel(%arg0: i32, %arg1: i32, %arg2: memref<16384xi32, #tpu.memory_space<hbm>>, %arg3: memref<32x1000001xf32, #tpu.memory_space<hbm>>, %arg4: memref<524288xf32, #tpu.memory_space<hbm>>, %arg5: memref<528xi32, #tpu.memory_space<vmem>>, %arg6: memref<16384xf32, #tpu.memory_space<vmem>>, %arg7: memref<32x128xf32, #tpu.memory_space<vmem>>, %arg8: memref<32x128xf32, #tpu.memory_space<vmem>>, %arg9: memref<32x128xf32, #tpu.memory_space<vmem>>, %arg10: memref<32x128xf32, #tpu.memory_space<vmem>>, %arg11: memref<32x128xf32, #tpu.memory_space<vmem>>, %arg12: memref<32x128xf32, #tpu.memory_space<vmem>>, %arg13: memref<32x128xf32, #tpu.memory_space<vmem>>, %arg14: memref<32x128xf32, #tpu.memory_space<vmem>>, %arg15: memref<32x128xf32, #tpu.memory_space<vmem>>, %arg16: memref<32x128xf32, #tpu.memory_space<vmem>>, %arg17: memref<32x128xf32, #tpu.memory_space<vmem>>, %arg18: memref<32x128xf32, #tpu.memory_space<vmem>>, %arg19: memref<32x128xf32, #tpu.memory_space<vmem>>, %arg20: memref<32x128xf32, #tpu.memory_space<vmem>>, %arg21: memref<32x128xf32, #tpu.memory_space<vmem>>, %arg22: memref<32x128xf32, #tpu.memory_space<vmem>>, %arg23: memref<!tpu.dma_semaphore, #tpu.memory_space<semaphore_mem>>) attributes {dimension_semantics = [#tpu.dimension_semantics<core_parallel>, #tpu.dimension_semantics<subcore_parallel>], iteration_bounds = array<i64: 2, 16>, scalar_prefetch = 0 : i64, scratch_operands = 19 : i64, tpu.core_type = #tpu.core_type<sc_vector_subcore>, window_params = [{transform_indices = #map}, {transform_indices = #map1}, {transform_indices = #map}]} {
    %mul3A = arith.constant 2 : i32
    %mul3A_0 = arith.muli %arg1, %mul3A : i32
    %add3A = arith.addi %mul3A_0, %arg0 : i32
    %mul3A_1 = arith.constant 512 : i32
    %mul3A_2 = arith.muli %add3A, %mul3A_1 : i32
    "tpu.region"() ({
      %run_scoped3A = tpu.sem_alloc : memref<!tpu.dma_semaphore, #tpu.memory_space<semaphore_mem>>
      %dma_start3A_268 = arith.constant 0 : i32
      %dma_start3A_269 = tpu.memref_slice %arg5[%dma_start3A_268] : memref<528xi32, #tpu.memory_space<vmem>> -> memref<512xi32, #tpu.memory_space<vmem>>
      %dma_start3A_270 = tpu.memref_slice %arg2[%mul3A_2] : memref<16384xi32, #tpu.memory_space<hbm>> -> memref<512xi32, #tpu.memory_space<hbm>>
      %dma_start3A_271 = arith.constant 0 : i32
      %dma_start3A_272 = tpu.memref_slice %arg5[%dma_start3A_271] : memref<528xi32, #tpu.memory_space<vmem>> -> memref<512xi32, #tpu.memory_space<vmem>>
      %dma_start3A_273 = tpu.memref_slice %arg2[%mul3A_2] : memref<16384xi32, #tpu.memory_space<hbm>> -> memref<512xi32, #tpu.memory_space<hbm>>
      tpu.enqueue_dma source(%dma_start3A_273 : memref<512xi32, #tpu.memory_space<hbm>>) target(%dma_start3A_272 : memref<512xi32, #tpu.memory_space<vmem>>) target_semaphore(%run_scoped3A : memref<!tpu.dma_semaphore, #tpu.memory_space<semaphore_mem>>)
      %dma_wait3A = arith.constant 0 : i32
      %dma_wait3A_274 = tpu.memref_slice %arg5[%dma_wait3A] : memref<528xi32, #tpu.memory_space<vmem>> -> memref<512xi32, #tpu.memory_space<vmem>>
      %dma_wait3A_275 = tpu.memref_slice %arg2[%mul3A_2] : memref<16384xi32, #tpu.memory_space<hbm>> -> memref<512xi32, #tpu.memory_space<hbm>>
      %dma_wait3A_276 = arith.constant 0 : i32
      %dma_wait3A_277 = tpu.memref_slice %arg5[%dma_wait3A_276] : memref<528xi32, #tpu.memory_space<vmem>> -> memref<512xi32, #tpu.memory_space<vmem>>
      %dma_wait3A_278 = tpu.memref_slice %arg2[%mul3A_2] : memref<16384xi32, #tpu.memory_space<hbm>> -> memref<512xi32, #tpu.memory_space<hbm>>
      tpu.wait_dma2 semaphore(%run_scoped3A : memref<!tpu.dma_semaphore, #tpu.memory_space<semaphore_mem>>) src(%dma_wait3A_278 : memref<512xi32, #tpu.memory_space<hbm>>) dst(%dma_wait3A_277 : memref<512xi32, #tpu.memory_space<vmem>>)
      tpu.yield
    }) : () -> ()
    %iota3A = tpu.iota {dimensions = array<i32: 0>} : vector<16xi32>
    %add3A_3 = arith.constant 16 : i32
    %add3A_4 = vector.broadcast %add3A_3 : i32 to vector<16xi32>
    %add3A_5 = arith.addi %iota3A, %add3A_4 : vector<16xi32>
    %get3A = arith.constant 0 : index
    %get3A_6 = tpu.vector_load %arg5[%get3A] {strides = array<i32>} : memref<528xi32, #tpu.memory_space<vmem>>, vector<16xi32>,
    %add3A_7 = arith.constant 1 : i32
    %add3A_8 = vector.broadcast %add3A_7 : i32 to vector<16xi32>
    %add3A_9 = arith.addi %get3A_6, %add3A_8 : vector<16xi32>
    %slice3A = vector.extract_strided_slice %add3A_9 {offsets = [0], sizes = [1], strides = [1]} : vector<16xi32> to vector<1xi32>
    %squeeze3A = vector.extract %slice3A[0] : i32 from vector<1xi32>
    %jit3A = arith.constant 128 : i32
    %div3A = arith.divsi %squeeze3A, %jit3A : i32
    %sign3A = arith.constant 0 : i32
    %sign3A_10 = arith.cmpi sgt, %squeeze3A, %sign3A : i32
    %sign3A_11 = arith.extui %sign3A_10 : i1 to i32
    %sign3A_12 = arith.constant 0 : i32
    %sign3A_13 = arith.cmpi slt, %squeeze3A, %sign3A_12 : i32
    %sign3A_14 = arith.extui %sign3A_13 : i1 to i32
    %sign3A_15 = arith.subi %sign3A_11, %sign3A_14 : i32
    %sign3A_16 = arith.constant 0 : i32
    %sign3A_17 = arith.cmpi sgt, %jit3A, %sign3A_16 : i32
    %sign3A_18 = arith.extui %sign3A_17 : i1 to i32
    %sign3A_19 = arith.constant 0 : i32
    %sign3A_20 = arith.cmpi slt, %jit3A, %sign3A_19 : i32
    %sign3A_21 = arith.extui %sign3A_20 : i1 to i32
    %sign3A_22 = arith.subi %sign3A_18, %sign3A_21 : i32
    %ne3A = arith.cmpi ne, %sign3A_15, %sign3A_22 : i32
    %rem3A = arith.remsi %squeeze3A, %jit3A : i32
    %ne3A_23 = arith.constant 0 : i32
    %ne3A_24 = arith.cmpi ne, %rem3A, %ne3A_23 : i32
    %and3A = arith.andi %ne3A, %ne3A_24 : i1
    %sub3A = arith.constant 1 : i32
    %sub3A_25 = arith.subi %div3A, %sub3A : i32
    %select_n3A = arith.select %and3A, %sub3A_25, %div3A : i32
    %mul3A_26 = arith.constant 128 : i32
    %mul3A_27 = arith.muli %select_n3A, %mul3A_26 : i32
    %multiple_of3A = tpu.assume_multiple %mul3A_27, 128 : i32
    %dma_start3A = arith.constant 0 : i32
    %dma_start3A_28 = tpu.memref_slice %arg3[%dma_start3A, %multiple_of3A] : memref<32x1000001xf32, #tpu.memory_space<hbm>> -> memref<32x128xf32, #tpu.memory_space<hbm>>
    %dma_start3A_29 = arith.constant 0 : i32
    %dma_start3A_30 = tpu.memref_slice %arg3[%dma_start3A_29, %multiple_of3A] : memref<32x1000001xf32, #tpu.memory_space<hbm>> -> memref<32x128xf32, #tpu.memory_space<hbm>>
    tpu.enqueue_dma source(%dma_start3A_30 : memref<32x128xf32, #tpu.memory_space<hbm>>) target(%arg7 : memref<32x128xf32, #tpu.memory_space<vmem>>) target_semaphore(%arg23 : memref<!tpu.dma_semaphore, #tpu.memory_space<semaphore_mem>>)
    %slice3A_31 = vector.extract_strided_slice %add3A_9 {offsets = [1], sizes = [1], strides = [1]} : vector<16xi32> to vector<1xi32>
    %squeeze3A_32 = vector.extract %slice3A_31[0] : i32 from vector<1xi32>
    %jit3A_33 = arith.constant 128 : i32
    %div3A_34 = arith.divsi %squeeze3A_32, %jit3A_33 : i32
    %sign3A_35 = arith.constant 0 : i32
    %sign3A_36 = arith.cmpi sgt, %squeeze3A_32, %sign3A_35 : i32
    %sign3A_37 = arith.extui %sign3A_36 : i1 to i32
    %sign3A_38 = arith.constant 0 : i32
    %sign3A_39 = arith.cmpi slt, %squeeze3A_32, %sign3A_38 : i32
    %sign3A_40 = arith.extui %sign3A_39 : i1 to i32
    %sign3A_41 = arith.subi %sign3A_37, %sign3A_40 : i32
    %sign3A_42 = arith.constant 0 : i32
    %sign3A_43 = arith.cmpi sgt, %jit3A_33, %sign3A_42 : i32
    %sign3A_44 = arith.extui %sign3A_43 : i1 to i32
    %sign3A_45 = arith.constant 0 : i32
    %sign3A_46 = arith.cmpi slt, %jit3A_33, %sign3A_45 : i32
    %sign3A_47 = arith.extui %sign3A_46 : i1 to i32
    %sign3A_48 = arith.subi %sign3A_44, %sign3A_47 : i32
    %ne3A_49 = arith.cmpi ne, %sign3A_41, %sign3A_48 : i32
    %rem3A_50 = arith.remsi %squeeze3A_32, %jit3A_33 : i32
    %ne3A_51 = arith.constant 0 : i32
    %ne3A_52 = arith.cmpi ne, %rem3A_50, %ne3A_51 : i32
    %and3A_53 = arith.andi %ne3A_49, %ne3A_52 : i1
    %sub3A_54 = arith.constant 1 : i32
    %sub3A_55 = arith.subi %div3A_34, %sub3A_54 : i32
    %select_n3A_56 = arith.select %and3A_53, %sub3A_55, %div3A_34 : i32
    %mul3A_57 = arith.constant 128 : i32
    %mul3A_58 = arith.muli %select_n3A_56, %mul3A_57 : i32
    %multiple_of3A_59 = tpu.assume_multiple %mul3A_58, 128 : i32
    %dma_start3A_60 = arith.constant 0 : i32
    %dma_start3A_61 = tpu.memref_slice %arg3[%dma_start3A_60, %multiple_of3A_59] : memref<32x1000001xf32, #tpu.memory_space<hbm>> -> memref<32x128xf32, #tpu.memory_space<hbm>>
    %dma_start3A_62 = arith.constant 0 : i32
    %dma_start3A_63 = tpu.memref_slice %arg3[%dma_start3A_62, %multiple_of3A_59] : memref<32x1000001xf32, #tpu.memory_space<hbm>> -> memref<32x128xf32, #tpu.memory_space<hbm>>
    tpu.enqueue_dma source(%dma_start3A_63 : memref<32x128xf32, #tpu.memory_space<hbm>>) target(%arg8 : memref<32x128xf32, #tpu.memory_space<vmem>>) target_semaphore(%arg23 : memref<!tpu.dma_semaphore, #tpu.memory_space<semaphore_mem>>)
    %slice3A_64 = vector.extract_strided_slice %add3A_9 {offsets = [2], sizes = [1], strides = [1]} : vector<16xi32> to vector<1xi32>
    %squeeze3A_65 = vector.extract %slice3A_64[0] : i32 from vector<1xi32>
    %jit3A_66 = arith.constant 128 : i32
    %div3A_67 = arith.divsi %squeeze3A_65, %jit3A_66 : i32
    %sign3A_68 = arith.constant 0 : i32
    %sign3A_69 = arith.cmpi sgt, %squeeze3A_65, %sign3A_68 : i32
    %sign3A_70 = arith.extui %sign3A_69 : i1 to i32
    %sign3A_71 = arith.constant 0 : i32
    %sign3A_72 = arith.cmpi slt, %squeeze3A_65, %sign3A_71 : i32
    %sign3A_73 = arith.extui %sign3A_72 : i1 to i32
    %sign3A_74 = arith.subi %sign3A_70, %sign3A_73 : i32
    %sign3A_75 = arith.constant 0 : i32
    %sign3A_76 = arith.cmpi sgt, %jit3A_66, %sign3A_75 : i32
    %sign3A_77 = arith.extui %sign3A_76 : i1 to i32
    %sign3A_78 = arith.constant 0 : i32
    %sign3A_79 = arith.cmpi slt, %jit3A_66, %sign3A_78 : i32
    %sign3A_80 = arith.extui %sign3A_79 : i1 to i32
    %sign3A_81 = arith.subi %sign3A_77, %sign3A_80 : i32
    %ne3A_82 = arith.cmpi ne, %sign3A_74, %sign3A_81 : i32
    %rem3A_83 = arith.remsi %squeeze3A_65, %jit3A_66 : i32
    %ne3A_84 = arith.constant 0 : i32
    %ne3A_85 = arith.cmpi ne, %rem3A_83, %ne3A_84 : i32
    %and3A_86 = arith.andi %ne3A_82, %ne3A_85 : i1
    %sub3A_87 = arith.constant 1 : i32
    %sub3A_88 = arith.subi %div3A_67, %sub3A_87 : i32
    %select_n3A_89 = arith.select %and3A_86, %sub3A_88, %div3A_67 : i32
    %mul3A_90 = arith.constant 128 : i32
    %mul3A_91 = arith.muli %select_n3A_89, %mul3A_90 : i32
    %multiple_of3A_92 = tpu.assume_multiple %mul3A_91, 128 : i32
    %dma_start3A_93 = arith.constant 0 : i32
    %dma_start3A_94 = tpu.memref_slice %arg3[%dma_start3A_93, %multiple_of3A_92] : memref<32x1000001xf32, #tpu.memory_space<hbm>> -> memref<32x128xf32, #tpu.memory_space<hbm>>
    %dma_start3A_95 = arith.constant 0 : i32
    %dma_start3A_96 = tpu.memref_slice %arg3[%dma_start3A_95, %multiple_of3A_92] : memref<32x1000001xf32, #tpu.memory_space<hbm>> -> memref<32x128xf32, #tpu.memory_space<hbm>>
    tpu.enqueue_dma source(%dma_start3A_96 : memref<32x128xf32, #tpu.memory_space<hbm>>) target(%arg9 : memref<32x128xf32, #tpu.memory_space<vmem>>) target_semaphore(%arg23 : memref<!tpu.dma_semaphore, #tpu.memory_space<semaphore_mem>>)
    %slice3A_97 = vector.extract_strided_slice %add3A_9 {offsets = [3], sizes = [1], strides = [1]} : vector<16xi32> to vector<1xi32>
    %squeeze3A_98 = vector.extract %slice3A_97[0] : i32 from vector<1xi32>
    %jit3A_99 = arith.constant 128 : i32
    %div3A_100 = arith.divsi %squeeze3A_98, %jit3A_99 : i32
    %sign3A_101 = arith.constant 0 : i32
    %sign3A_102 = arith.cmpi sgt, %squeeze3A_98, %sign3A_101 : i32
    %sign3A_103 = arith.extui %sign3A_102 : i1 to i32
    %sign3A_104 = arith.constant 0 : i32
    %sign3A_105 = arith.cmpi slt, %squeeze3A_98, %sign3A_104 : i32
    %sign3A_106 = arith.extui %sign3A_105 : i1 to i32
    %sign3A_107 = arith.subi %sign3A_103, %sign3A_106 : i32
    %sign3A_108 = arith.constant 0 : i32
    %sign3A_109 = arith.cmpi sgt, %jit3A_99, %sign3A_108 : i32
    %sign3A_110 = arith.extui %sign3A_109 : i1 to i32
    %sign3A_111 = arith.constant 0 : i32
    %sign3A_112 = arith.cmpi slt, %jit3A_99, %sign3A_111 : i32
    %sign3A_113 = arith.extui %sign3A_112 : i1 to i32
    %sign3A_114 = arith.subi %sign3A_110, %sign3A_113 : i32
    %ne3A_115 = arith.cmpi ne, %sign3A_107, %sign3A_114 : i32
    %rem3A_116 = arith.remsi %squeeze3A_98, %jit3A_99 : i32
    %ne3A_117 = arith.constant 0 : i32
    %ne3A_118 = arith.cmpi ne, %rem3A_116, %ne3A_117 : i32
    %and3A_119 = arith.andi %ne3A_115, %ne3A_118 : i1
    %sub3A_120 = arith.constant 1 : i32
    %sub3A_121 = arith.subi %div3A_100, %sub3A_120 : i32
    %select_n3A_122 = arith.select %and3A_119, %sub3A_121, %div3A_100 : i32
    %mul3A_123 = arith.constant 128 : i32
    %mul3A_124 = arith.muli %select_n3A_122, %mul3A_123 : i32
    %multiple_of3A_125 = tpu.assume_multiple %mul3A_124, 128 : i32
    %dma_start3A_126 = arith.constant 0 : i32
    %dma_start3A_127 = tpu.memref_slice %arg3[%dma_start3A_126, %multiple_of3A_125] : memref<32x1000001xf32, #tpu.memory_space<hbm>> -> memref<32x128xf32, #tpu.memory_space<hbm>>
    %dma_start3A_128 = arith.constant 0 : i32
    %dma_start3A_129 = tpu.memref_slice %arg3[%dma_start3A_128, %multiple_of3A_125] : memref<32x1000001xf32, #tpu.memory_space<hbm>> -> memref<32x128xf32, #tpu.memory_space<hbm>>
    tpu.enqueue_dma source(%dma_start3A_129 : memref<32x128xf32, #tpu.memory_space<hbm>>) target(%arg10 : memref<32x128xf32, #tpu.memory_space<vmem>>) target_semaphore(%arg23 : memref<!tpu.dma_semaphore, #tpu.memory_space<semaphore_mem>>)
    %slice3A_130 = vector.extract_strided_slice %add3A_9 {offsets = [4], sizes = [1], strides = [1]} : vector<16xi32> to vector<1xi32>
    %squeeze3A_131 = vector.extract %slice3A_130[0] : i32 from vector<1xi32>
    %jit3A_132 = arith.constant 128 : i32
    %div3A_133 = arith.divsi %squeeze3A_131, %jit3A_132 : i32
    %sign3A_134 = arith.constant 0 : i32
    %sign3A_135 = arith.cmpi sgt, %squeeze3A_131, %sign3A_134 : i32
    %sign3A_136 = arith.extui %sign3A_135 : i1 to i32
    %sign3A_137 = arith.constant 0 : i32
    %sign3A_138 = arith.cmpi slt, %squeeze3A_131, %sign3A_137 : i32
    %sign3A_139 = arith.extui %sign3A_138 : i1 to i32
    %sign3A_140 = arith.subi %sign3A_136, %sign3A_139 : i32
    %sign3A_141 = arith.constant 0 : i32
    %sign3A_142 = arith.cmpi sgt, %jit3A_132, %sign3A_141 : i32
    %sign3A_143 = arith.extui %sign3A_142 : i1 to i32
    %sign3A_144 = arith.constant 0 : i32
    %sign3A_145 = arith.cmpi slt, %jit3A_132, %sign3A_144 : i32
    %sign3A_146 = arith.extui %sign3A_145 : i1 to i32
    %sign3A_147 = arith.subi %sign3A_143, %sign3A_146 : i32
    %ne3A_148 = arith.cmpi ne, %sign3A_140, %sign3A_147 : i32
    %rem3A_149 = arith.remsi %squeeze3A_131, %jit3A_132 : i32
    %ne3A_150 = arith.constant 0 : i32
    %ne3A_151 = arith.cmpi ne, %rem3A_149, %ne3A_150 : i32
    %and3A_152 = arith.andi %ne3A_148, %ne3A_151 : i1
    %sub3A_153 = arith.constant 1 : i32
    %sub3A_154 = arith.subi %div3A_133, %sub3A_153 : i32
    %select_n3A_155 = arith.select %and3A_152, %sub3A_154, %div3A_133 : i32
    %mul3A_156 = arith.constant 128 : i32
    %mul3A_157 = arith.muli %select_n3A_155, %mul3A_156 : i32
    %multiple_of3A_158 = tpu.assume_multiple %mul3A_157, 128 : i32
    %dma_start3A_159 = arith.constant 0 : i32
    %dma_start3A_160 = tpu.memref_slice %arg3[%dma_start3A_159, %multiple_of3A_158] : memref<32x1000001xf32, #tpu.memory_space<hbm>> -> memref<32x128xf32, #tpu.memory_space<hbm>>
    %dma_start3A_161 = arith.constant 0 : i32
    %dma_start3A_162 = tpu.memref_slice %arg3[%dma_start3A_161, %multiple_of3A_158] : memref<32x1000001xf32, #tpu.memory_space<hbm>> -> memref<32x128xf32, #tpu.memory_space<hbm>>
    tpu.enqueue_dma source(%dma_start3A_162 : memref<32x128xf32, #tpu.memory_space<hbm>>) target(%arg11 : memref<32x128xf32, #tpu.memory_space<vmem>>) target_semaphore(%arg23 : memref<!tpu.dma_semaphore, #tpu.memory_space<semaphore_mem>>)
    %slice3A_163 = vector.extract_strided_slice %add3A_9 {offsets = [5], sizes = [1], strides = [1]} : vector<16xi32> to vector<1xi32>
    %squeeze3A_164 = vector.extract %slice3A_163[0] : i32 from vector<1xi32>
    %jit3A_165 = arith.constant 128 : i32
    %div3A_166 = arith.divsi %squeeze3A_164, %jit3A_165 : i32
    %sign3A_167 = arith.constant 0 : i32
    %sign3A_168 = arith.cmpi sgt, %squeeze3A_164, %sign3A_167 : i32
    %sign3A_169 = arith.extui %sign3A_168 : i1 to i32
    %sign3A_170 = arith.constant 0 : i32
    %sign3A_171 = arith.cmpi slt, %squeeze3A_164, %sign3A_170 : i32
    %sign3A_172 = arith.extui %sign3A_171 : i1 to i32
    %sign3A_173 = arith.subi %sign3A_169, %sign3A_172 : i32
    %sign3A_174 = arith.constant 0 : i32
    %sign3A_175 = arith.cmpi sgt, %jit3A_165, %sign3A_174 : i32
    %sign3A_176 = arith.extui %sign3A_175 : i1 to i32
    %sign3A_177 = arith.constant 0 : i32
    %sign3A_178 = arith.cmpi slt, %jit3A_165, %sign3A_177 : i32
    %sign3A_179 = arith.extui %sign3A_178 : i1 to i32
    %sign3A_180 = arith.subi %sign3A_176, %sign3A_179 : i32
    %ne3A_181 = arith.cmpi ne, %sign3A_173, %sign3A_180 : i32
    %rem3A_182 = arith.remsi %squeeze3A_164, %jit3A_165 : i32
    %ne3A_183 = arith.constant 0 : i32
    %ne3A_184 = arith.cmpi ne, %rem3A_182, %ne3A_183 : i32
    %and3A_185 = arith.andi %ne3A_181, %ne3A_184 : i1
    %sub3A_186 = arith.constant 1 : i32
    %sub3A_187 = arith.subi %div3A_166, %sub3A_186 : i32
    %select_n3A_188 = arith.select %and3A_185, %sub3A_187, %div3A_166 : i32
    %mul3A_189 = arith.constant 128 : i32
    %mul3A_190 = arith.muli %select_n3A_188, %mul3A_189 : i32
    %multiple_of3A_191 = tpu.assume_multiple %mul3A_190, 128 : i32
    %dma_start3A_192 = arith.constant 0 : i32
    %dma_start3A_193 = tpu.memref_slice %arg3[%dma_start3A_192, %multiple_of3A_191] : memref<32x1000001xf32, #tpu.memory_space<hbm>> -> memref<32x128xf32, #tpu.memory_space<hbm>>
    %dma_start3A_194 = arith.constant 0 : i32
    %dma_start3A_195 = tpu.memref_slice %arg3[%dma_start3A_194, %multiple_of3A_191] : memref<32x1000001xf32, #tpu.memory_space<hbm>> -> memref<32x128xf32, #tpu.memory_space<hbm>>
    tpu.enqueue_dma source(%dma_start3A_195 : memref<32x128xf32, #tpu.memory_space<hbm>>) target(%arg12 : memref<32x128xf32, #tpu.memory_space<vmem>>) target_semaphore(%arg23 : memref<!tpu.dma_semaphore, #tpu.memory_space<semaphore_mem>>)
    %slice3A_196 = vector.extract_strided_slice %add3A_9 {offsets = [6], sizes = [1], strides = [1]} : vector<16xi32> to vector<1xi32>
    %squeeze3A_197 = vector.extract %slice3A_196[0] : i32 from vector<1xi32>
    %jit3A_198 = arith.constant 128 : i32
    %div3A_199 = arith.divsi %squeeze3A_197, %jit3A_198 : i32
    %sign3A_200 = arith.constant 0 : i32
    %sign3A_201 = arith.cmpi sgt, %squeeze3A_197, %sign3A_200 : i32
    %sign3A_202 = arith.extui %sign3A_201 : i1 to i32
    %sign3A_203 = arith.constant 0 : i32
    %sign3A_204 = arith.cmpi slt, %squeeze3A_197, %sign3A_203 : i32
    %sign3A_205 = arith.extui %sign3A_204 : i1 to i32
    %sign3A_206 = arith.subi %sign3A_202, %sign3A_205 : i32
    %sign3A_207 = arith.constant 0 : i32
    %sign3A_208 = arith.cmpi sgt, %jit3A_198, %sign3A_207 : i32
    %sign3A_209 = arith.extui %sign3A_208 : i1 to i32
    %sign3A_210 = arith.constant 0 : i32
    %sign3A_211 = arith.cmpi slt, %jit3A_198, %sign3A_210 : i32
    %sign3A_212 = arith.extui %sign3A_211 : i1 to i32
    %sign3A_213 = arith.subi %sign3A_209, %sign3A_212 : i32
    %ne3A_214 = arith.cmpi ne, %sign3A_206, %sign3A_213 : i32
    %rem3A_215 = arith.remsi %squeeze3A_197, %jit3A_198 : i32
    %ne3A_216 = arith.constant 0 : i32
    %ne3A_217 = arith.cmpi ne, %rem3A_215, %ne3A_216 : i32
    %and3A_218 = arith.andi %ne3A_214, %ne3A_217 : i1
    %sub3A_219 = arith.constant 1 : i32
    %sub3A_220 = arith.subi %div3A_199, %sub3A_219 : i32
    %select_n3A_221 = arith.select %and3A_218, %sub3A_220, %div3A_199 : i32
    %mul3A_222 = arith.constant 128 : i32
    %mul3A_223 = arith.muli %select_n3A_221, %mul3A_222 : i32
    %multiple_of3A_224 = tpu.assume_multiple %mul3A_223, 128 : i32
    %dma_start3A_225 = arith.constant 0 : i32
    %dma_start3A_226 = tpu.memref_slice %arg3[%dma_start3A_225, %multiple_of3A_224] : memref<32x1000001xf32, #tpu.memory_space<hbm>> -> memref<32x128xf32, #tpu.memory_space<hbm>>
    %dma_start3A_227 = arith.constant 0 : i32
    %dma_start3A_228 = tpu.memref_slice %arg3[%dma_start3A_227, %multiple_of3A_224] : memref<32x1000001xf32, #tpu.memory_space<hbm>> -> memref<32x128xf32, #tpu.memory_space<hbm>>
    tpu.enqueue_dma source(%dma_start3A_228 : memref<32x128xf32, #tpu.memory_space<hbm>>) target(%arg13 : memref<32x128xf32, #tpu.memory_space<vmem>>) target_semaphore(%arg23 : memref<!tpu.dma_semaphore, #tpu.memory_space<semaphore_mem>>)
    %slice3A_229 = vector.extract_strided_slice %add3A_9 {offsets = [7], sizes = [1], strides = [1]} : vector<16xi32> to vector<1xi32>
    %squeeze3A_230 = vector.extract %slice3A_229[0] : i32 from vector<1xi32>
    %jit3A_231 = arith.constant 128 : i32
    %div3A_232 = arith.divsi %squeeze3A_230, %jit3A_231 : i32
    %sign3A_233 = arith.constant 0 : i32
    %sign3A_234 = arith.cmpi sgt, %squeeze3A_230, %sign3A_233 : i32
    %sign3A_235 = arith.extui %sign3A_234 : i1 to i32
    %sign3A_236 = arith.constant 0 : i32
    %sign3A_237 = arith.cmpi slt, %squeeze3A_230, %sign3A_236 : i32
    %sign3A_238 = arith.extui %sign3A_237 : i1 to i32
    %sign3A_239 = arith.subi %sign3A_235, %sign3A_238 : i32
    %sign3A_240 = arith.constant 0 : i32
    %sign3A_241 = arith.cmpi sgt, %jit3A_231, %sign3A_240 : i32
    %sign3A_242 = arith.extui %sign3A_241 : i1 to i32
    %sign3A_243 = arith.constant 0 : i32
    %sign3A_244 = arith.cmpi slt, %jit3A_231, %sign3A_243 : i32
    %sign3A_245 = arith.extui %sign3A_244 : i1 to i32
    %sign3A_246 = arith.subi %sign3A_242, %sign3A_245 : i32
    %ne3A_247 = arith.cmpi ne, %sign3A_239, %sign3A_246 : i32
    %rem3A_248 = arith.remsi %squeeze3A_230, %jit3A_231 : i32
    %ne3A_249 = arith.constant 0 : i32
    %ne3A_250 = arith.cmpi ne, %rem3A_248, %ne3A_249 : i32
    %and3A_251 = arith.andi %ne3A_247, %ne3A_250 : i1
    %sub3A_252 = arith.constant 1 : i32
    %sub3A_253 = arith.subi %div3A_232, %sub3A_252 : i32
    %select_n3A_254 = arith.select %and3A_251, %sub3A_253, %div3A_232 : i32
    %mul3A_255 = arith.constant 128 : i32
    %mul3A_256 = arith.muli %select_n3A_254, %mul3A_255 : i32
    %multiple_of3A_257 = tpu.assume_multiple %mul3A_256, 128 : i32
    %dma_start3A_258 = arith.constant 0 : i32
    %dma_start3A_259 = tpu.memref_slice %arg3[%dma_start3A_258, %multiple_of3A_257] : memref<32x1000001xf32, #tpu.memory_space<hbm>> -> memref<32x128xf32, #tpu.memory_space<hbm>>
    %dma_start3A_260 = arith.constant 0 : i32
    %dma_start3A_261 = tpu.memref_slice %arg3[%dma_start3A_260, %multiple_of3A_257] : memref<32x1000001xf32, #tpu.memory_space<hbm>> -> memref<32x128xf32, #tpu.memory_space<hbm>>
    tpu.enqueue_dma source(%dma_start3A_261 : memref<32x128xf32, #tpu.memory_space<hbm>>) target(%arg14 : memref<32x128xf32, #tpu.memory_space<vmem>>) target_semaphore(%arg23 : memref<!tpu.dma_semaphore, #tpu.memory_space<semaphore_mem>>)
    %scan3A = arith.constant 0 : i32
    %scan3A_262 = arith.constant 32 : i32
    %scan3A_263 = arith.addi %scan3A, %scan3A_262 : i32
    %scan3A_264 = arith.constant 1 : i32
    scf.for %scan3A_268 = %scan3A to %scan3A_263 step %scan3A_264  : i32 {
      %mul3A_269 = arith.constant 1 : i32
      %mul3A_270 = arith.muli %scan3A_268, %mul3A_269 : i32
      %add3A_271 = arith.constant 0 : i32
      %add3A_272 = arith.addi %add3A_271, %mul3A_270 : i32
      %mul3A_273 = arith.constant 2 : i32
      %mul3A_274 = arith.muli %mul3A_273, %add3A_272 : i32
      %add3A_275 = arith.constant 1 : i32
      %add3A_276 = arith.addi %mul3A_274, %add3A_275 : i32
      %mul3A_277 = arith.constant 8 : i32
      %mul3A_278 = arith.muli %add3A_276, %mul3A_277 : i32
      %get3A_279 = arith.index_cast %mul3A_278 : i32 to index
      %get3A_280 = tpu.vector_load %arg5[%get3A_279] {strides = array<i32>} : memref<528xi32, #tpu.memory_space<vmem>>, vector<16xi32>,
      %add3A_281 = arith.constant 1 : i32
      %add3A_282 = vector.broadcast %add3A_281 : i32 to vector<16xi32>
      %add3A_283 = arith.addi %get3A_280, %add3A_282 : vector<16xi32>
      %slice3A_284 = vector.extract_strided_slice %add3A_283 {offsets = [0], sizes = [1], strides = [1]} : vector<16xi32> to vector<1xi32>
      %squeeze3A_285 = vector.extract %slice3A_284[0] : i32 from vector<1xi32>
      %jit3A_286 = arith.constant 128 : i32
      %div3A_287 = arith.divsi %squeeze3A_285, %jit3A_286 : i32
      %sign3A_288 = arith.constant 0 : i32
      %sign3A_289 = arith.cmpi sgt, %squeeze3A_285, %sign3A_288 : i32
      %sign3A_290 = arith.extui %sign3A_289 : i1 to i32
      %sign3A_291 = arith.constant 0 : i32
      %sign3A_292 = arith.cmpi slt, %squeeze3A_285, %sign3A_291 : i32
      %sign3A_293 = arith.extui %sign3A_292 : i1 to i32
      %sign3A_294 = arith.subi %sign3A_290, %sign3A_293 : i32
      %sign3A_295 = arith.constant 0 : i32
      %sign3A_296 = arith.cmpi sgt, %jit3A_286, %sign3A_295 : i32
      %sign3A_297 = arith.extui %sign3A_296 : i1 to i32
      %sign3A_298 = arith.constant 0 : i32
      %sign3A_299 = arith.cmpi slt, %jit3A_286, %sign3A_298 : i32
      %sign3A_300 = arith.extui %sign3A_299 : i1 to i32
      %sign3A_301 = arith.subi %sign3A_297, %sign3A_300 : i32
      %ne3A_302 = arith.cmpi ne, %sign3A_294, %sign3A_301 : i32
      %rem3A_303 = arith.remsi %squeeze3A_285, %jit3A_286 : i32
      %ne3A_304 = arith.constant 0 : i32
      %ne3A_305 = arith.cmpi ne, %rem3A_303, %ne3A_304 : i32
      %and3A_306 = arith.andi %ne3A_302, %ne3A_305 : i1
      %sub3A_307 = arith.constant 1 : i32
      %sub3A_308 = arith.subi %div3A_287, %sub3A_307 : i32
      %select_n3A_309 = arith.select %and3A_306, %sub3A_308, %div3A_287 : i32
      %mul3A_310 = arith.constant 128 : i32
      %mul3A_311 = arith.muli %select_n3A_309, %mul3A_310 : i32
      %multiple_of3A_312 = tpu.assume_multiple %mul3A_311, 128 : i32
      %dma_start3A_313 = arith.constant 0 : i32
      %dma_start3A_314 = tpu.memref_slice %arg3[%dma_start3A_313, %multiple_of3A_312] : memref<32x1000001xf32, #tpu.memory_space<hbm>> -> memref<32x128xf32, #tpu.memory_space<hbm>>
      %dma_start3A_315 = arith.constant 0 : i32
      %dma_start3A_316 = tpu.memref_slice %arg3[%dma_start3A_315, %multiple_of3A_312] : memref<32x1000001xf32, #tpu.memory_space<hbm>> -> memref<32x128xf32, #tpu.memory_space<hbm>>
      tpu.enqueue_dma source(%dma_start3A_316 : memref<32x128xf32, #tpu.memory_space<hbm>>) target(%arg15 : memref<32x128xf32, #tpu.memory_space<vmem>>) target_semaphore(%arg23 : memref<!tpu.dma_semaphore, #tpu.memory_space<semaphore_mem>>)
      %slice3A_317 = vector.extract_strided_slice %add3A_283 {offsets = [1], sizes = [1], strides = [1]} : vector<16xi32> to vector<1xi32>
      %squeeze3A_318 = vector.extract %slice3A_317[0] : i32 from vector<1xi32>
      %jit3A_319 = arith.constant 128 : i32
      %div3A_320 = arith.divsi %squeeze3A_318, %jit3A_319 : i32
      %sign3A_321 = arith.constant 0 : i32
      %sign3A_322 = arith.cmpi sgt, %squeeze3A_318, %sign3A_321 : i32
      %sign3A_323 = arith.extui %sign3A_322 : i1 to i32
      %sign3A_324 = arith.constant 0 : i32
      %sign3A_325 = arith.cmpi slt, %squeeze3A_318, %sign3A_324 : i32
      %sign3A_326 = arith.extui %sign3A_325 : i1 to i32
      %sign3A_327 = arith.subi %sign3A_323, %sign3A_326 : i32
      %sign3A_328 = arith.constant 0 : i32
      %sign3A_329 = arith.cmpi sgt, %jit3A_319, %sign3A_328 : i32
      %sign3A_330 = arith.extui %sign3A_329 : i1 to i32
      %sign3A_331 = arith.constant 0 : i32
      %sign3A_332 = arith.cmpi slt, %jit3A_319, %sign3A_331 : i32
      %sign3A_333 = arith.extui %sign3A_332 : i1 to i32
      %sign3A_334 = arith.subi %sign3A_330, %sign3A_333 : i32
      %ne3A_335 = arith.cmpi ne, %sign3A_327, %sign3A_334 : i32
      %rem3A_336 = arith.remsi %squeeze3A_318, %jit3A_319 : i32
      %ne3A_337 = arith.constant 0 : i32
      %ne3A_338 = arith.cmpi ne, %rem3A_336, %ne3A_337 : i32
      %and3A_339 = arith.andi %ne3A_335, %ne3A_338 : i1
      %sub3A_340 = arith.constant 1 : i32
      %sub3A_341 = arith.subi %div3A_320, %sub3A_340 : i32
      %select_n3A_342 = arith.select %and3A_339, %sub3A_341, %div3A_320 : i32
      %mul3A_343 = arith.constant 128 : i32
      %mul3A_344 = arith.muli %select_n3A_342, %mul3A_343 : i32
      %multiple_of3A_345 = tpu.assume_multiple %mul3A_344, 128 : i32
      %dma_start3A_346 = arith.constant 0 : i32
      %dma_start3A_347 = tpu.memref_slice %arg3[%dma_start3A_346, %multiple_of3A_345] : memref<32x1000001xf32, #tpu.memory_space<hbm>> -> memref<32x128xf32, #tpu.memory_space<hbm>>
      %dma_start3A_348 = arith.constant 0 : i32
      %dma_start3A_349 = tpu.memref_slice %arg3[%dma_start3A_348, %multiple_of3A_345] : memref<32x1000001xf32, #tpu.memory_space<hbm>> -> memref<32x128xf32, #tpu.memory_space<hbm>>
      tpu.enqueue_dma source(%dma_start3A_349 : memref<32x128xf32, #tpu.memory_space<hbm>>) target(%arg16 : memref<32x128xf32, #tpu.memory_space<vmem>>) target_semaphore(%arg23 : memref<!tpu.dma_semaphore, #tpu.memory_space<semaphore_mem>>)
      %slice3A_350 = vector.extract_strided_slice %add3A_283 {offsets = [2], sizes = [1], strides = [1]} : vector<16xi32> to vector<1xi32>
      %squeeze3A_351 = vector.extract %slice3A_350[0] : i32 from vector<1xi32>
      %jit3A_352 = arith.constant 128 : i32
      %div3A_353 = arith.divsi %squeeze3A_351, %jit3A_352 : i32
      %sign3A_354 = arith.constant 0 : i32
      %sign3A_355 = arith.cmpi sgt, %squeeze3A_351, %sign3A_354 : i32
      %sign3A_356 = arith.extui %sign3A_355 : i1 to i32
      %sign3A_357 = arith.constant 0 : i32
      %sign3A_358 = arith.cmpi slt, %squeeze3A_351, %sign3A_357 : i32
      %sign3A_359 = arith.extui %sign3A_358 : i1 to i32
      %sign3A_360 = arith.subi %sign3A_356, %sign3A_359 : i32
      %sign3A_361 = arith.constant 0 : i32
      %sign3A_362 = arith.cmpi sgt, %jit3A_352, %sign3A_361 : i32
      %sign3A_363 = arith.extui %sign3A_362 : i1 to i32
      %sign3A_364 = arith.constant 0 : i32
      %sign3A_365 = arith.cmpi slt, %jit3A_352, %sign3A_364 : i32
      %sign3A_366 = arith.extui %sign3A_365 : i1 to i32
      %sign3A_367 = arith.subi %sign3A_363, %sign3A_366 : i32
      %ne3A_368 = arith.cmpi ne, %sign3A_360, %sign3A_367 : i32
      %rem3A_369 = arith.remsi %squeeze3A_351, %jit3A_352 : i32
      %ne3A_370 = arith.constant 0 : i32
      %ne3A_371 = arith.cmpi ne, %rem3A_369, %ne3A_370 : i32
      %and3A_372 = arith.andi %ne3A_368, %ne3A_371 : i1
      %sub3A_373 = arith.constant 1 : i32
      %sub3A_374 = arith.subi %div3A_353, %sub3A_373 : i32
      %select_n3A_375 = arith.select %and3A_372, %sub3A_374, %div3A_353 : i32
      %mul3A_376 = arith.constant 128 : i32
      %mul3A_377 = arith.muli %select_n3A_375, %mul3A_376 : i32
      %multiple_of3A_378 = tpu.assume_multiple %mul3A_377, 128 : i32
      %dma_start3A_379 = arith.constant 0 : i32
      %dma_start3A_380 = tpu.memref_slice %arg3[%dma_start3A_379, %multiple_of3A_378] : memref<32x1000001xf32, #tpu.memory_space<hbm>> -> memref<32x128xf32, #tpu.memory_space<hbm>>
      %dma_start3A_381 = arith.constant 0 : i32
      %dma_start3A_382 = tpu.memref_slice %arg3[%dma_start3A_381, %multiple_of3A_378] : memref<32x1000001xf32, #tpu.memory_space<hbm>> -> memref<32x128xf32, #tpu.memory_space<hbm>>
      tpu.enqueue_dma source(%dma_start3A_382 : memref<32x128xf32, #tpu.memory_space<hbm>>) target(%arg17 : memref<32x128xf32, #tpu.memory_space<vmem>>) target_semaphore(%arg23 : memref<!tpu.dma_semaphore, #tpu.memory_space<semaphore_mem>>)
      %slice3A_383 = vector.extract_strided_slice %add3A_283 {offsets = [3], sizes = [1], strides = [1]} : vector<16xi32> to vector<1xi32>
      %squeeze3A_384 = vector.extract %slice3A_383[0] : i32 from vector<1xi32>
      %jit3A_385 = arith.constant 128 : i32
      %div3A_386 = arith.divsi %squeeze3A_384, %jit3A_385 : i32
      %sign3A_387 = arith.constant 0 : i32
      %sign3A_388 = arith.cmpi sgt, %squeeze3A_384, %sign3A_387 : i32
      %sign3A_389 = arith.extui %sign3A_388 : i1 to i32
      %sign3A_390 = arith.constant 0 : i32
      %sign3A_391 = arith.cmpi slt, %squeeze3A_384, %sign3A_390 : i32
      %sign3A_392 = arith.extui %sign3A_391 : i1 to i32
      %sign3A_393 = arith.subi %sign3A_389, %sign3A_392 : i32
      %sign3A_394 = arith.constant 0 : i32
      %sign3A_395 = arith.cmpi sgt, %jit3A_385, %sign3A_394 : i32
      %sign3A_396 = arith.extui %sign3A_395 : i1 to i32
      %sign3A_397 = arith.constant 0 : i32
      %sign3A_398 = arith.cmpi slt, %jit3A_385, %sign3A_397 : i32
      %sign3A_399 = arith.extui %sign3A_398 : i1 to i32
      %sign3A_400 = arith.subi %sign3A_396, %sign3A_399 : i32
      %ne3A_401 = arith.cmpi ne, %sign3A_393, %sign3A_400 : i32
      %rem3A_402 = arith.remsi %squeeze3A_384, %jit3A_385 : i32
      %ne3A_403 = arith.constant 0 : i32
      %ne3A_404 = arith.cmpi ne, %rem3A_402, %ne3A_403 : i32
      %and3A_405 = arith.andi %ne3A_401, %ne3A_404 : i1
      %sub3A_406 = arith.constant 1 : i32
      %sub3A_407 = arith.subi %div3A_386, %sub3A_406 : i32
      %select_n3A_408 = arith.select %and3A_405, %sub3A_407, %div3A_386 : i32
      %mul3A_409 = arith.constant 128 : i32
      %mul3A_410 = arith.muli %select_n3A_408, %mul3A_409 : i32
      %multiple_of3A_411 = tpu.assume_multiple %mul3A_410, 128 : i32
      %dma_start3A_412 = arith.constant 0 : i32
      %dma_start3A_413 = tpu.memref_slice %arg3[%dma_start3A_412, %multiple_of3A_411] : memref<32x1000001xf32, #tpu.memory_space<hbm>> -> memref<32x128xf32, #tpu.memory_space<hbm>>
      %dma_start3A_414 = arith.constant 0 : i32
      %dma_start3A_415 = tpu.memref_slice %arg3[%dma_start3A_414, %multiple_of3A_411] : memref<32x1000001xf32, #tpu.memory_space<hbm>> -> memref<32x128xf32, #tpu.memory_space<hbm>>
      tpu.enqueue_dma source(%dma_start3A_415 : memref<32x128xf32, #tpu.memory_space<hbm>>) target(%arg18 : memref<32x128xf32, #tpu.memory_space<vmem>>) target_semaphore(%arg23 : memref<!tpu.dma_semaphore, #tpu.memory_space<semaphore_mem>>)
      %slice3A_416 = vector.extract_strided_slice %add3A_283 {offsets = [4], sizes = [1], strides = [1]} : vector<16xi32> to vector<1xi32>
      %squeeze3A_417 = vector.extract %slice3A_416[0] : i32 from vector<1xi32>
      %jit3A_418 = arith.constant 128 : i32
      %div3A_419 = arith.divsi %squeeze3A_417, %jit3A_418 : i32
      %sign3A_420 = arith.constant 0 : i32
      %sign3A_421 = arith.cmpi sgt, %squeeze3A_417, %sign3A_420 : i32
      %sign3A_422 = arith.extui %sign3A_421 : i1 to i32
      %sign3A_423 = arith.constant 0 : i32
      %sign3A_424 = arith.cmpi slt, %squeeze3A_417, %sign3A_423 : i32
      %sign3A_425 = arith.extui %sign3A_424 : i1 to i32
      %sign3A_426 = arith.subi %sign3A_422, %sign3A_425 : i32
      %sign3A_427 = arith.constant 0 : i32
      %sign3A_428 = arith.cmpi sgt, %jit3A_418, %sign3A_427 : i32
      %sign3A_429 = arith.extui %sign3A_428 : i1 to i32
      %sign3A_430 = arith.constant 0 : i32
      %sign3A_431 = arith.cmpi slt, %jit3A_418, %sign3A_430 : i32
      %sign3A_432 = arith.extui %sign3A_431 : i1 to i32
      %sign3A_433 = arith.subi %sign3A_429, %sign3A_432 : i32
      %ne3A_434 = arith.cmpi ne, %sign3A_426, %sign3A_433 : i32
      %rem3A_435 = arith.remsi %squeeze3A_417, %jit3A_418 : i32
      %ne3A_436 = arith.constant 0 : i32
      %ne3A_437 = arith.cmpi ne, %rem3A_435, %ne3A_436 : i32
      %and3A_438 = arith.andi %ne3A_434, %ne3A_437 : i1
      %sub3A_439 = arith.constant 1 : i32
      %sub3A_440 = arith.subi %div3A_419, %sub3A_439 : i32
      %select_n3A_441 = arith.select %and3A_438, %sub3A_440, %div3A_419 : i32
      %mul3A_442 = arith.constant 128 : i32
      %mul3A_443 = arith.muli %select_n3A_441, %mul3A_442 : i32
      %multiple_of3A_444 = tpu.assume_multiple %mul3A_443, 128 : i32
      %dma_start3A_445 = arith.constant 0 : i32
      %dma_start3A_446 = tpu.memref_slice %arg3[%dma_start3A_445, %multiple_of3A_444] : memref<32x1000001xf32, #tpu.memory_space<hbm>> -> memref<32x128xf32, #tpu.memory_space<hbm>>
      %dma_start3A_447 = arith.constant 0 : i32
      %dma_start3A_448 = tpu.memref_slice %arg3[%dma_start3A_447, %multiple_of3A_444] : memref<32x1000001xf32, #tpu.memory_space<hbm>> -> memref<32x128xf32, #tpu.memory_space<hbm>>
      tpu.enqueue_dma source(%dma_start3A_448 : memref<32x128xf32, #tpu.memory_space<hbm>>) target(%arg19 : memref<32x128xf32, #tpu.memory_space<vmem>>) target_semaphore(%arg23 : memref<!tpu.dma_semaphore, #tpu.memory_space<semaphore_mem>>)
      %slice3A_449 = vector.extract_strided_slice %add3A_283 {offsets = [5], sizes = [1], strides = [1]} : vector<16xi32> to vector<1xi32>
      %squeeze3A_450 = vector.extract %slice3A_449[0] : i32 from vector<1xi32>
      %jit3A_451 = arith.constant 128 : i32
      %div3A_452 = arith.divsi %squeeze3A_450, %jit3A_451 : i32
      %sign3A_453 = arith.constant 0 : i32
      %sign3A_454 = arith.cmpi sgt, %squeeze3A_450, %sign3A_453 : i32
      %sign3A_455 = arith.extui %sign3A_454 : i1 to i32
      %sign3A_456 = arith.constant 0 : i32
      %sign3A_457 = arith.cmpi slt, %squeeze3A_450, %sign3A_456 : i32
      %sign3A_458 = arith.extui %sign3A_457 : i1 to i32
      %sign3A_459 = arith.subi %sign3A_455, %sign3A_458 : i32
      %sign3A_460 = arith.constant 0 : i32
      %sign3A_461 = arith.cmpi sgt, %jit3A_451, %sign3A_460 : i32
      %sign3A_462 = arith.extui %sign3A_461 : i1 to i32
      %sign3A_463 = arith.constant 0 : i32
      %sign3A_464 = arith.cmpi slt, %jit3A_451, %sign3A_463 : i32
      %sign3A_465 = arith.extui %sign3A_464 : i1 to i32
      %sign3A_466 = arith.subi %sign3A_462, %sign3A_465 : i32
      %ne3A_467 = arith.cmpi ne, %sign3A_459, %sign3A_466 : i32
      %rem3A_468 = arith.remsi %squeeze3A_450, %jit3A_451 : i32
      %ne3A_469 = arith.constant 0 : i32
      %ne3A_470 = arith.cmpi ne, %rem3A_468, %ne3A_469 : i32
      %and3A_471 = arith.andi %ne3A_467, %ne3A_470 : i1
      %sub3A_472 = arith.constant 1 : i32
      %sub3A_473 = arith.subi %div3A_452, %sub3A_472 : i32
      %select_n3A_474 = arith.select %and3A_471, %sub3A_473, %div3A_452 : i32
      %mul3A_475 = arith.constant 128 : i32
      %mul3A_476 = arith.muli %select_n3A_474, %mul3A_475 : i32
      %multiple_of3A_477 = tpu.assume_multiple %mul3A_476, 128 : i32
      %dma_start3A_478 = arith.constant 0 : i32
      %dma_start3A_479 = tpu.memref_slice %arg3[%dma_start3A_478, %multiple_of3A_477] : memref<32x1000001xf32, #tpu.memory_space<hbm>> -> memref<32x128xf32, #tpu.memory_space<hbm>>
      %dma_start3A_480 = arith.constant 0 : i32
      %dma_start3A_481 = tpu.memref_slice %arg3[%dma_start3A_480, %multiple_of3A_477] : memref<32x1000001xf32, #tpu.memory_space<hbm>> -> memref<32x128xf32, #tpu.memory_space<hbm>>
      tpu.enqueue_dma source(%dma_start3A_481 : memref<32x128xf32, #tpu.memory_space<hbm>>) target(%arg20 : memref<32x128xf32, #tpu.memory_space<vmem>>) target_semaphore(%arg23 : memref<!tpu.dma_semaphore, #tpu.memory_space<semaphore_mem>>)
      %slice3A_482 = vector.extract_strided_slice %add3A_283 {offsets = [6], sizes = [1], strides = [1]} : vector<16xi32> to vector<1xi32>
      %squeeze3A_483 = vector.extract %slice3A_482[0] : i32 from vector<1xi32>
      %jit3A_484 = arith.constant 128 : i32
      %div3A_485 = arith.divsi %squeeze3A_483, %jit3A_484 : i32
      %sign3A_486 = arith.constant 0 : i32
      %sign3A_487 = arith.cmpi sgt, %squeeze3A_483, %sign3A_486 : i32
      %sign3A_488 = arith.extui %sign3A_487 : i1 to i32
      %sign3A_489 = arith.constant 0 : i32
      %sign3A_490 = arith.cmpi slt, %squeeze3A_483, %sign3A_489 : i32
      %sign3A_491 = arith.extui %sign3A_490 : i1 to i32
      %sign3A_492 = arith.subi %sign3A_488, %sign3A_491 : i32
      %sign3A_493 = arith.constant 0 : i32
      %sign3A_494 = arith.cmpi sgt, %jit3A_484, %sign3A_493 : i32
      %sign3A_495 = arith.extui %sign3A_494 : i1 to i32
      %sign3A_496 = arith.constant 0 : i32
      %sign3A_497 = arith.cmpi slt, %jit3A_484, %sign3A_496 : i32
      %sign3A_498 = arith.extui %sign3A_497 : i1 to i32
      %sign3A_499 = arith.subi %sign3A_495, %sign3A_498 : i32
      %ne3A_500 = arith.cmpi ne, %sign3A_492, %sign3A_499 : i32
      %rem3A_501 = arith.remsi %squeeze3A_483, %jit3A_484 : i32
      %ne3A_502 = arith.constant 0 : i32
      %ne3A_503 = arith.cmpi ne, %rem3A_501, %ne3A_502 : i32
      %and3A_504 = arith.andi %ne3A_500, %ne3A_503 : i1
      %sub3A_505 = arith.constant 1 : i32
      %sub3A_506 = arith.subi %div3A_485, %sub3A_505 : i32
      %select_n3A_507 = arith.select %and3A_504, %sub3A_506, %div3A_485 : i32
      %mul3A_508 = arith.constant 128 : i32
      %mul3A_509 = arith.muli %select_n3A_507, %mul3A_508 : i32
      %multiple_of3A_510 = tpu.assume_multiple %mul3A_509, 128 : i32
      %dma_start3A_511 = arith.constant 0 : i32
      %dma_start3A_512 = tpu.memref_slice %arg3[%dma_start3A_511, %multiple_of3A_510] : memref<32x1000001xf32, #tpu.memory_space<hbm>> -> memref<32x128xf32, #tpu.memory_space<hbm>>
      %dma_start3A_513 = arith.constant 0 : i32
      %dma_start3A_514 = tpu.memref_slice %arg3[%dma_start3A_513, %multiple_of3A_510] : memref<32x1000001xf32, #tpu.memory_space<hbm>> -> memref<32x128xf32, #tpu.memory_space<hbm>>
      tpu.enqueue_dma source(%dma_start3A_514 : memref<32x128xf32, #tpu.memory_space<hbm>>) target(%arg21 : memref<32x128xf32, #tpu.memory_space<vmem>>) target_semaphore(%arg23 : memref<!tpu.dma_semaphore, #tpu.memory_space<semaphore_mem>>)
      %slice3A_515 = vector.extract_strided_slice %add3A_283 {offsets = [7], sizes = [1], strides = [1]} : vector<16xi32> to vector<1xi32>
      %squeeze3A_516 = vector.extract %slice3A_515[0] : i32 from vector<1xi32>
      %jit3A_517 = arith.constant 128 : i32
      %div3A_518 = arith.divsi %squeeze3A_516, %jit3A_517 : i32
      %sign3A_519 = arith.constant 0 : i32
      %sign3A_520 = arith.cmpi sgt, %squeeze3A_516, %sign3A_519 : i32
      %sign3A_521 = arith.extui %sign3A_520 : i1 to i32
      %sign3A_522 = arith.constant 0 : i32
      %sign3A_523 = arith.cmpi slt, %squeeze3A_516, %sign3A_522 : i32
      %sign3A_524 = arith.extui %sign3A_523 : i1 to i32
      %sign3A_525 = arith.subi %sign3A_521, %sign3A_524 : i32
      %sign3A_526 = arith.constant 0 : i32
      %sign3A_527 = arith.cmpi sgt, %jit3A_517, %sign3A_526 : i32
      %sign3A_528 = arith.extui %sign3A_527 : i1 to i32
      %sign3A_529 = arith.constant 0 : i32
      %sign3A_530 = arith.cmpi slt, %jit3A_517, %sign3A_529 : i32
      %sign3A_531 = arith.extui %sign3A_530 : i1 to i32
      %sign3A_532 = arith.subi %sign3A_528, %sign3A_531 : i32
      %ne3A_533 = arith.cmpi ne, %sign3A_525, %sign3A_532 : i32
      %rem3A_534 = arith.remsi %squeeze3A_516, %jit3A_517 : i32
      %ne3A_535 = arith.constant 0 : i32
      %ne3A_536 = arith.cmpi ne, %rem3A_534, %ne3A_535 : i32
      %and3A_537 = arith.andi %ne3A_533, %ne3A_536 : i1
      %sub3A_538 = arith.constant 1 : i32
      %sub3A_539 = arith.subi %div3A_518, %sub3A_538 : i32
      %select_n3A_540 = arith.select %and3A_537, %sub3A_539, %div3A_518 : i32
      %mul3A_541 = arith.constant 128 : i32
      %mul3A_542 = arith.muli %select_n3A_540, %mul3A_541 : i32
      %multiple_of3A_543 = tpu.assume_multiple %mul3A_542, 128 : i32
      %dma_start3A_544 = arith.constant 0 : i32
      %dma_start3A_545 = tpu.memref_slice %arg3[%dma_start3A_544, %multiple_of3A_543] : memref<32x1000001xf32, #tpu.memory_space<hbm>> -> memref<32x128xf32, #tpu.memory_space<hbm>>
      %dma_start3A_546 = arith.constant 0 : i32
      %dma_start3A_547 = tpu.memref_slice %arg3[%dma_start3A_546, %multiple_of3A_543] : memref<32x1000001xf32, #tpu.memory_space<hbm>> -> memref<32x128xf32, #tpu.memory_space<hbm>>
      tpu.enqueue_dma source(%dma_start3A_547 : memref<32x128xf32, #tpu.memory_space<hbm>>) target(%arg22 : memref<32x128xf32, #tpu.memory_space<vmem>>) target_semaphore(%arg23 : memref<!tpu.dma_semaphore, #tpu.memory_space<semaphore_mem>>)
      %mul3A_548 = arith.constant 2 : i32
      %mul3A_549 = arith.muli %mul3A_548, %add3A_272 : i32
      %mul3A_550 = arith.constant 8 : i32
      %mul3A_551 = arith.muli %mul3A_549, %mul3A_550 : i32
      %get3A_552 = arith.index_cast %mul3A_551 : i32 to index
      %get3A_553 = tpu.vector_load %arg5[%get3A_552] {strides = array<i32>} : memref<528xi32, #tpu.memory_space<vmem>>, vector<16xi32>,
      %add3A_554 = arith.constant 1 : i32
      %add3A_555 = vector.broadcast %add3A_554 : i32 to vector<16xi32>
      %add3A_556 = arith.addi %get3A_553, %add3A_555 : vector<16xi32>
      %dma_wait3A = arith.constant 0 : i32
      %dma_wait3A_557 = arith.constant 0 : i32
      %dma_wait3A_558 = tpu.memref_slice %arg3[%dma_wait3A, %dma_wait3A_557] : memref<32x1000001xf32, #tpu.memory_space<hbm>> -> memref<32x128xf32, #tpu.memory_space<hbm>>
      %dma_wait3A_559 = arith.constant 0 : i32
      %dma_wait3A_560 = arith.constant 0 : i32
      %dma_wait3A_561 = tpu.memref_slice %arg3[%dma_wait3A_559, %dma_wait3A_560] : memref<32x1000001xf32, #tpu.memory_space<hbm>> -> memref<32x128xf32, #tpu.memory_space<hbm>>
      tpu.wait_dma2 semaphore(%arg23 : memref<!tpu.dma_semaphore, #tpu.memory_space<semaphore_mem>>) src(%dma_wait3A_561 : memref<32x128xf32, #tpu.memory_space<hbm>>) dst(%arg7 : memref<32x128xf32, #tpu.memory_space<vmem>>)
      %slice3A_562 = vector.extract_strided_slice %add3A_556 {offsets = [0], sizes = [1], strides = [1]} : vector<16xi32> to vector<1xi32>
      %squeeze3A_563 = vector.extract %slice3A_562[0] : i32 from vector<1xi32>
      %jit3A_564 = arith.constant 128 : i32
      %eq3A = arith.constant 0 : i32
      %eq3A_565 = arith.cmpi eq, %jit3A_564, %eq3A : i32
      %jit3A_566 = arith.constant 1 : i32
      %select_n3A_567 = arith.select %eq3A_565, %jit3A_566, %jit3A_564 : i32
      %rem3A_568 = arith.remsi %squeeze3A_563, %select_n3A_567 : i32
      %ne3A_569 = arith.constant 0 : i32
      %ne3A_570 = arith.cmpi ne, %rem3A_568, %ne3A_569 : i32
      %lt3A = arith.constant 0 : i32
      %lt3A_571 = arith.cmpi slt, %rem3A_568, %lt3A : i32
      %lt3A_572 = arith.constant 0 : i32
      %lt3A_573 = arith.cmpi slt, %select_n3A_567, %lt3A_572 : i32
      %ne3A_574 = arith.xori %lt3A_571, %lt3A_573 : i1
      %and3A_575 = arith.andi %ne3A_574, %ne3A_570 : i1
      %add3A_576 = arith.addi %rem3A_568, %select_n3A_567 : i32
      %select_n3A_577 = arith.select %and3A_575, %add3A_576, %rem3A_568 : i32
      %broadcast_in_dim3A = vector.broadcast %select_n3A_577 : i32 to vector<16xi32>
      %gather3A = tpu.vector_load_idx %arg7[%iota3A, %broadcast_in_dim3A] : memref<32x128xf32, #tpu.memory_space<vmem>>[vector<16xi32>, vector<16xi32>], vector<16xf32>,
      %gather3A_578 = tpu.vector_load_idx %arg7[%add3A_5, %broadcast_in_dim3A] : memref<32x128xf32, #tpu.memory_space<vmem>>[vector<16xi32>, vector<16xi32>], vector<16xf32>,
      %mul3A_579 = arith.constant 8 : i32
      %mul3A_580 = arith.muli %mul3A_549, %mul3A_579 : i32
      %add3A_581 = arith.constant 0 : i32
      %add3A_582 = arith.addi %mul3A_580, %add3A_581 : i32
      %mul3A_583 = arith.constant 32 : i32
      %mul3A_584 = arith.muli %add3A_582, %mul3A_583 : i32
      %swap3A = arith.index_cast %mul3A_584 : i32 to index
      %swap3A_585 = tpu.vector_load %arg6[%swap3A] {strides = array<i32>} : memref<16384xf32, #tpu.memory_space<vmem>>, vector<16xf32>,
      tpu.vector_store %arg6[%swap3A], %gather3A {strides = array<i32>} : memref<16384xf32, #tpu.memory_space<vmem>>, vector<16xf32>,
      %add3A_586 = arith.constant 16 : i32
      %add3A_587 = arith.addi %mul3A_584, %add3A_586 : i32
      %swap3A_588 = arith.index_cast %add3A_587 : i32 to index
      %swap3A_589 = tpu.vector_load %arg6[%swap3A_588] {strides = array<i32>} : memref<16384xf32, #tpu.memory_space<vmem>>, vector<16xf32>,
      tpu.vector_store %arg6[%swap3A_588], %gather3A_578 {strides = array<i32>} : memref<16384xf32, #tpu.memory_space<vmem>>, vector<16xf32>,
      %dma_wait3A_590 = arith.constant 0 : i32
      %dma_wait3A_591 = arith.constant 0 : i32
      %dma_wait3A_592 = tpu.memref_slice %arg3[%dma_wait3A_590, %dma_wait3A_591] : memref<32x1000001xf32, #tpu.memory_space<hbm>> -> memref<32x128xf32, #tpu.memory_space<hbm>>
      %dma_wait3A_593 = arith.constant 0 : i32
      %dma_wait3A_594 = arith.constant 0 : i32
      %dma_wait3A_595 = tpu.memref_slice %arg3[%dma_wait3A_593, %dma_wait3A_594] : memref<32x1000001xf32, #tpu.memory_space<hbm>> -> memref<32x128xf32, #tpu.memory_space<hbm>>
      tpu.wait_dma2 semaphore(%arg23 : memref<!tpu.dma_semaphore, #tpu.memory_space<semaphore_mem>>) src(%dma_wait3A_595 : memref<32x128xf32, #tpu.memory_space<hbm>>) dst(%arg8 : memref<32x128xf32, #tpu.memory_space<vmem>>)
      %slice3A_596 = vector.extract_strided_slice %add3A_556 {offsets = [1], sizes = [1], strides = [1]} : vector<16xi32> to vector<1xi32>
      %squeeze3A_597 = vector.extract %slice3A_596[0] : i32 from vector<1xi32>
      %jit3A_598 = arith.constant 128 : i32
      %eq3A_599 = arith.constant 0 : i32
      %eq3A_600 = arith.cmpi eq, %jit3A_598, %eq3A_599 : i32
      %jit3A_601 = arith.constant 1 : i32
      %select_n3A_602 = arith.select %eq3A_600, %jit3A_601, %jit3A_598 : i32
      %rem3A_603 = arith.remsi %squeeze3A_597, %select_n3A_602 : i32
      %ne3A_604 = arith.constant 0 : i32
      %ne3A_605 = arith.cmpi ne, %rem3A_603, %ne3A_604 : i32
      %lt3A_606 = arith.constant 0 : i32
      %lt3A_607 = arith.cmpi slt, %rem3A_603, %lt3A_606 : i32
      %lt3A_608 = arith.constant 0 : i32
      %lt3A_609 = arith.cmpi slt, %select_n3A_602, %lt3A_608 : i32
      %ne3A_610 = arith.xori %lt3A_607, %lt3A_609 : i1
      %and3A_611 = arith.andi %ne3A_610, %ne3A_605 : i1
      %add3A_612 = arith.addi %rem3A_603, %select_n3A_602 : i32
      %select_n3A_613 = arith.select %and3A_611, %add3A_612, %rem3A_603 : i32
      %broadcast_in_dim3A_614 = vector.broadcast %select_n3A_613 : i32 to vector<16xi32>
      %gather3A_615 = tpu.vector_load_idx %arg8[%iota3A, %broadcast_in_dim3A_614] : memref<32x128xf32, #tpu.memory_space<vmem>>[vector<16xi32>, vector<16xi32>], vector<16xf32>,
      %gather3A_616 = tpu.vector_load_idx %arg8[%add3A_5, %broadcast_in_dim3A_614] : memref<32x128xf32, #tpu.memory_space<vmem>>[vector<16xi32>, vector<16xi32>], vector<16xf32>,
      %mul3A_617 = arith.constant 8 : i32
      %mul3A_618 = arith.muli %mul3A_549, %mul3A_617 : i32
      %add3A_619 = arith.constant 1 : i32
      %add3A_620 = arith.addi %mul3A_618, %add3A_619 : i32
      %mul3A_621 = arith.constant 32 : i32
      %mul3A_622 = arith.muli %add3A_620, %mul3A_621 : i32
      %swap3A_623 = arith.index_cast %mul3A_622 : i32 to index
      %swap3A_624 = tpu.vector_load %arg6[%swap3A_623] {strides = array<i32>} : memref<16384xf32, #tpu.memory_space<vmem>>, vector<16xf32>,
      tpu.vector_store %arg6[%swap3A_623], %gather3A_615 {strides = array<i32>} : memref<16384xf32, #tpu.memory_space<vmem>>, vector<16xf32>,
      %add3A_625 = arith.constant 16 : i32
      %add3A_626 = arith.addi %mul3A_622, %add3A_625 : i32
      %swap3A_627 = arith.index_cast %add3A_626 : i32 to index
      %swap3A_628 = tpu.vector_load %arg6[%swap3A_627] {strides = array<i32>} : memref<16384xf32, #tpu.memory_space<vmem>>, vector<16xf32>,
      tpu.vector_store %arg6[%swap3A_627], %gather3A_616 {strides = array<i32>} : memref<16384xf32, #tpu.memory_space<vmem>>, vector<16xf32>,
      %dma_wait3A_629 = arith.constant 0 : i32
      %dma_wait3A_630 = arith.constant 0 : i32
      %dma_wait3A_631 = tpu.memref_slice %arg3[%dma_wait3A_629, %dma_wait3A_630] : memref<32x1000001xf32, #tpu.memory_space<hbm>> -> memref<32x128xf32, #tpu.memory_space<hbm>>
      %dma_wait3A_632 = arith.constant 0 : i32
      %dma_wait3A_633 = arith.constant 0 : i32
      %dma_wait3A_634 = tpu.memref_slice %arg3[%dma_wait3A_632, %dma_wait3A_633] : memref<32x1000001xf32, #tpu.memory_space<hbm>> -> memref<32x128xf32, #tpu.memory_space<hbm>>
      tpu.wait_dma2 semaphore(%arg23 : memref<!tpu.dma_semaphore, #tpu.memory_space<semaphore_mem>>) src(%dma_wait3A_634 : memref<32x128xf32, #tpu.memory_space<hbm>>) dst(%arg9 : memref<32x128xf32, #tpu.memory_space<vmem>>)
      %slice3A_635 = vector.extract_strided_slice %add3A_556 {offsets = [2], sizes = [1], strides = [1]} : vector<16xi32> to vector<1xi32>
      %squeeze3A_636 = vector.extract %slice3A_635[0] : i32 from vector<1xi32>
      %jit3A_637 = arith.constant 128 : i32
      %eq3A_638 = arith.constant 0 : i32
      %eq3A_639 = arith.cmpi eq, %jit3A_637, %eq3A_638 : i32
      %jit3A_640 = arith.constant 1 : i32
      %select_n3A_641 = arith.select %eq3A_639, %jit3A_640, %jit3A_637 : i32
      %rem3A_642 = arith.remsi %squeeze3A_636, %select_n3A_641 : i32
      %ne3A_643 = arith.constant 0 : i32
      %ne3A_644 = arith.cmpi ne, %rem3A_642, %ne3A_643 : i32
      %lt3A_645 = arith.constant 0 : i32
      %lt3A_646 = arith.cmpi slt, %rem3A_642, %lt3A_645 : i32
      %lt3A_647 = arith.constant 0 : i32
      %lt3A_648 = arith.cmpi slt, %select_n3A_641, %lt3A_647 : i32
      %ne3A_649 = arith.xori %lt3A_646, %lt3A_648 : i1
      %and3A_650 = arith.andi %ne3A_649, %ne3A_644 : i1
      %add3A_651 = arith.addi %rem3A_642, %select_n3A_641 : i32
      %select_n3A_652 = arith.select %and3A_650, %add3A_651, %rem3A_642 : i32
      %broadcast_in_dim3A_653 = vector.broadcast %select_n3A_652 : i32 to vector<16xi32>
      %gather3A_654 = tpu.vector_load_idx %arg9[%iota3A, %broadcast_in_dim3A_653] : memref<32x128xf32, #tpu.memory_space<vmem>>[vector<16xi32>, vector<16xi32>], vector<16xf32>,
      %gather3A_655 = tpu.vector_load_idx %arg9[%add3A_5, %broadcast_in_dim3A_653] : memref<32x128xf32, #tpu.memory_space<vmem>>[vector<16xi32>, vector<16xi32>], vector<16xf32>,
      %mul3A_656 = arith.constant 8 : i32
      %mul3A_657 = arith.muli %mul3A_549, %mul3A_656 : i32
      %add3A_658 = arith.constant 2 : i32
      %add3A_659 = arith.addi %mul3A_657, %add3A_658 : i32
      %mul3A_660 = arith.constant 32 : i32
      %mul3A_661 = arith.muli %add3A_659, %mul3A_660 : i32
      %swap3A_662 = arith.index_cast %mul3A_661 : i32 to index
      %swap3A_663 = tpu.vector_load %arg6[%swap3A_662] {strides = array<i32>} : memref<16384xf32, #tpu.memory_space<vmem>>, vector<16xf32>,
      tpu.vector_store %arg6[%swap3A_662], %gather3A_654 {strides = array<i32>} : memref<16384xf32, #tpu.memory_space<vmem>>, vector<16xf32>,
      %add3A_664 = arith.constant 16 : i32
      %add3A_665 = arith.addi %mul3A_661, %add3A_664 : i32
      %swap3A_666 = arith.index_cast %add3A_665 : i32 to index
      %swap3A_667 = tpu.vector_load %arg6[%swap3A_666] {strides = array<i32>} : memref<16384xf32, #tpu.memory_space<vmem>>, vector<16xf32>,
      tpu.vector_store %arg6[%swap3A_666], %gather3A_655 {strides = array<i32>} : memref<16384xf32, #tpu.memory_space<vmem>>, vector<16xf32>,
      %dma_wait3A_668 = arith.constant 0 : i32
      %dma_wait3A_669 = arith.constant 0 : i32
      %dma_wait3A_670 = tpu.memref_slice %arg3[%dma_wait3A_668, %dma_wait3A_669] : memref<32x1000001xf32, #tpu.memory_space<hbm>> -> memref<32x128xf32, #tpu.memory_space<hbm>>
      %dma_wait3A_671 = arith.constant 0 : i32
      %dma_wait3A_672 = arith.constant 0 : i32
      %dma_wait3A_673 = tpu.memref_slice %arg3[%dma_wait3A_671, %dma_wait3A_672] : memref<32x1000001xf32, #tpu.memory_space<hbm>> -> memref<32x128xf32, #tpu.memory_space<hbm>>
      tpu.wait_dma2 semaphore(%arg23 : memref<!tpu.dma_semaphore, #tpu.memory_space<semaphore_mem>>) src(%dma_wait3A_673 : memref<32x128xf32, #tpu.memory_space<hbm>>) dst(%arg10 : memref<32x128xf32, #tpu.memory_space<vmem>>)
      %slice3A_674 = vector.extract_strided_slice %add3A_556 {offsets = [3], sizes = [1], strides = [1]} : vector<16xi32> to vector<1xi32>
      %squeeze3A_675 = vector.extract %slice3A_674[0] : i32 from vector<1xi32>
      %jit3A_676 = arith.constant 128 : i32
      %eq3A_677 = arith.constant 0 : i32
      %eq3A_678 = arith.cmpi eq, %jit3A_676, %eq3A_677 : i32
      %jit3A_679 = arith.constant 1 : i32
      %select_n3A_680 = arith.select %eq3A_678, %jit3A_679, %jit3A_676 : i32
      %rem3A_681 = arith.remsi %squeeze3A_675, %select_n3A_680 : i32
      %ne3A_682 = arith.constant 0 : i32
      %ne3A_683 = arith.cmpi ne, %rem3A_681, %ne3A_682 : i32
      %lt3A_684 = arith.constant 0 : i32
      %lt3A_685 = arith.cmpi slt, %rem3A_681, %lt3A_684 : i32
      %lt3A_686 = arith.constant 0 : i32
      %lt3A_687 = arith.cmpi slt, %select_n3A_680, %lt3A_686 : i32
      %ne3A_688 = arith.xori %lt3A_685, %lt3A_687 : i1
      %and3A_689 = arith.andi %ne3A_688, %ne3A_683 : i1
      %add3A_690 = arith.addi %rem3A_681, %select_n3A_680 : i32
      %select_n3A_691 = arith.select %and3A_689, %add3A_690, %rem3A_681 : i32
      %broadcast_in_dim3A_692 = vector.broadcast %select_n3A_691 : i32 to vector<16xi32>
      %gather3A_693 = tpu.vector_load_idx %arg10[%iota3A, %broadcast_in_dim3A_692] : memref<32x128xf32, #tpu.memory_space<vmem>>[vector<16xi32>, vector<16xi32>], vector<16xf32>,
      %gather3A_694 = tpu.vector_load_idx %arg10[%add3A_5, %broadcast_in_dim3A_692] : memref<32x128xf32, #tpu.memory_space<vmem>>[vector<16xi32>, vector<16xi32>], vector<16xf32>,
      %mul3A_695 = arith.constant 8 : i32
      %mul3A_696 = arith.muli %mul3A_549, %mul3A_695 : i32
      %add3A_697 = arith.constant 3 : i32
      %add3A_698 = arith.addi %mul3A_696, %add3A_697 : i32
      %mul3A_699 = arith.constant 32 : i32
      %mul3A_700 = arith.muli %add3A_698, %mul3A_699 : i32
      %swap3A_701 = arith.index_cast %mul3A_700 : i32 to index
      %swap3A_702 = tpu.vector_load %arg6[%swap3A_701] {strides = array<i32>} : memref<16384xf32, #tpu.memory_space<vmem>>, vector<16xf32>,
      tpu.vector_store %arg6[%swap3A_701], %gather3A_693 {strides = array<i32>} : memref<16384xf32, #tpu.memory_space<vmem>>, vector<16xf32>,
      %add3A_703 = arith.constant 16 : i32
      %add3A_704 = arith.addi %mul3A_700, %add3A_703 : i32
      %swap3A_705 = arith.index_cast %add3A_704 : i32 to index
      %swap3A_706 = tpu.vector_load %arg6[%swap3A_705] {strides = array<i32>} : memref<16384xf32, #tpu.memory_space<vmem>>, vector<16xf32>,
      tpu.vector_store %arg6[%swap3A_705], %gather3A_694 {strides = array<i32>} : memref<16384xf32, #tpu.memory_space<vmem>>, vector<16xf32>,
      %dma_wait3A_707 = arith.constant 0 : i32
      %dma_wait3A_708 = arith.constant 0 : i32
      %dma_wait3A_709 = tpu.memref_slice %arg3[%dma_wait3A_707, %dma_wait3A_708] : memref<32x1000001xf32, #tpu.memory_space<hbm>> -> memref<32x128xf32, #tpu.memory_space<hbm>>
      %dma_wait3A_710 = arith.constant 0 : i32
      %dma_wait3A_711 = arith.constant 0 : i32
      %dma_wait3A_712 = tpu.memref_slice %arg3[%dma_wait3A_710, %dma_wait3A_711] : memref<32x1000001xf32, #tpu.memory_space<hbm>> -> memref<32x128xf32, #tpu.memory_space<hbm>>
      tpu.wait_dma2 semaphore(%arg23 : memref<!tpu.dma_semaphore, #tpu.memory_space<semaphore_mem>>) src(%dma_wait3A_712 : memref<32x128xf32, #tpu.memory_space<hbm>>) dst(%arg11 : memref<32x128xf32, #tpu.memory_space<vmem>>)
      %slice3A_713 = vector.extract_strided_slice %add3A_556 {offsets = [4], sizes = [1], strides = [1]} : vector<16xi32> to vector<1xi32>
      %squeeze3A_714 = vector.extract %slice3A_713[0] : i32 from vector<1xi32>
      %jit3A_715 = arith.constant 128 : i32
      %eq3A_716 = arith.constant 0 : i32
      %eq3A_717 = arith.cmpi eq, %jit3A_715, %eq3A_716 : i32
      %jit3A_718 = arith.constant 1 : i32
      %select_n3A_719 = arith.select %eq3A_717, %jit3A_718, %jit3A_715 : i32
      %rem3A_720 = arith.remsi %squeeze3A_714, %select_n3A_719 : i32
      %ne3A_721 = arith.constant 0 : i32
      %ne3A_722 = arith.cmpi ne, %rem3A_720, %ne3A_721 : i32
      %lt3A_723 = arith.constant 0 : i32
      %lt3A_724 = arith.cmpi slt, %rem3A_720, %lt3A_723 : i32
      %lt3A_725 = arith.constant 0 : i32
      %lt3A_726 = arith.cmpi slt, %select_n3A_719, %lt3A_725 : i32
      %ne3A_727 = arith.xori %lt3A_724, %lt3A_726 : i1
      %and3A_728 = arith.andi %ne3A_727, %ne3A_722 : i1
      %add3A_729 = arith.addi %rem3A_720, %select_n3A_719 : i32
      %select_n3A_730 = arith.select %and3A_728, %add3A_729, %rem3A_720 : i32
      %broadcast_in_dim3A_731 = vector.broadcast %select_n3A_730 : i32 to vector<16xi32>
      %gather3A_732 = tpu.vector_load_idx %arg11[%iota3A, %broadcast_in_dim3A_731] : memref<32x128xf32, #tpu.memory_space<vmem>>[vector<16xi32>, vector<16xi32>], vector<16xf32>,
      %gather3A_733 = tpu.vector_load_idx %arg11[%add3A_5, %broadcast_in_dim3A_731] : memref<32x128xf32, #tpu.memory_space<vmem>>[vector<16xi32>, vector<16xi32>], vector<16xf32>,
      %mul3A_734 = arith.constant 8 : i32
      %mul3A_735 = arith.muli %mul3A_549, %mul3A_734 : i32
      %add3A_736 = arith.constant 4 : i32
      %add3A_737 = arith.addi %mul3A_735, %add3A_736 : i32
      %mul3A_738 = arith.constant 32 : i32
      %mul3A_739 = arith.muli %add3A_737, %mul3A_738 : i32
      %swap3A_740 = arith.index_cast %mul3A_739 : i32 to index
      %swap3A_741 = tpu.vector_load %arg6[%swap3A_740] {strides = array<i32>} : memref<16384xf32, #tpu.memory_space<vmem>>, vector<16xf32>,
      tpu.vector_store %arg6[%swap3A_740], %gather3A_732 {strides = array<i32>} : memref<16384xf32, #tpu.memory_space<vmem>>, vector<16xf32>,
      %add3A_742 = arith.constant 16 : i32
      %add3A_743 = arith.addi %mul3A_739, %add3A_742 : i32
      %swap3A_744 = arith.index_cast %add3A_743 : i32 to index
      %swap3A_745 = tpu.vector_load %arg6[%swap3A_744] {strides = array<i32>} : memref<16384xf32, #tpu.memory_space<vmem>>, vector<16xf32>,
      tpu.vector_store %arg6[%swap3A_744], %gather3A_733 {strides = array<i32>} : memref<16384xf32, #tpu.memory_space<vmem>>, vector<16xf32>,
      %dma_wait3A_746 = arith.constant 0 : i32
      %dma_wait3A_747 = arith.constant 0 : i32
      %dma_wait3A_748 = tpu.memref_slice %arg3[%dma_wait3A_746, %dma_wait3A_747] : memref<32x1000001xf32, #tpu.memory_space<hbm>> -> memref<32x128xf32, #tpu.memory_space<hbm>>
      %dma_wait3A_749 = arith.constant 0 : i32
      %dma_wait3A_750 = arith.constant 0 : i32
      %dma_wait3A_751 = tpu.memref_slice %arg3[%dma_wait3A_749, %dma_wait3A_750] : memref<32x1000001xf32, #tpu.memory_space<hbm>> -> memref<32x128xf32, #tpu.memory_space<hbm>>
      tpu.wait_dma2 semaphore(%arg23 : memref<!tpu.dma_semaphore, #tpu.memory_space<semaphore_mem>>) src(%dma_wait3A_751 : memref<32x128xf32, #tpu.memory_space<hbm>>) dst(%arg12 : memref<32x128xf32, #tpu.memory_space<vmem>>)
      %slice3A_752 = vector.extract_strided_slice %add3A_556 {offsets = [5], sizes = [1], strides = [1]} : vector<16xi32> to vector<1xi32>
      %squeeze3A_753 = vector.extract %slice3A_752[0] : i32 from vector<1xi32>
      %jit3A_754 = arith.constant 128 : i32
      %eq3A_755 = arith.constant 0 : i32
      %eq3A_756 = arith.cmpi eq, %jit3A_754, %eq3A_755 : i32
      %jit3A_757 = arith.constant 1 : i32
      %select_n3A_758 = arith.select %eq3A_756, %jit3A_757, %jit3A_754 : i32
      %rem3A_759 = arith.remsi %squeeze3A_753, %select_n3A_758 : i32
      %ne3A_760 = arith.constant 0 : i32
      %ne3A_761 = arith.cmpi ne, %rem3A_759, %ne3A_760 : i32
      %lt3A_762 = arith.constant 0 : i32
      %lt3A_763 = arith.cmpi slt, %rem3A_759, %lt3A_762 : i32
      %lt3A_764 = arith.constant 0 : i32
      %lt3A_765 = arith.cmpi slt, %select_n3A_758, %lt3A_764 : i32
      %ne3A_766 = arith.xori %lt3A_763, %lt3A_765 : i1
      %and3A_767 = arith.andi %ne3A_766, %ne3A_761 : i1
      %add3A_768 = arith.addi %rem3A_759, %select_n3A_758 : i32
      %select_n3A_769 = arith.select %and3A_767, %add3A_768, %rem3A_759 : i32
      %broadcast_in_dim3A_770 = vector.broadcast %select_n3A_769 : i32 to vector<16xi32>
      %gather3A_771 = tpu.vector_load_idx %arg12[%iota3A, %broadcast_in_dim3A_770] : memref<32x128xf32, #tpu.memory_space<vmem>>[vector<16xi32>, vector<16xi32>], vector<16xf32>,
      %gather3A_772 = tpu.vector_load_idx %arg12[%add3A_5, %broadcast_in_dim3A_770] : memref<32x128xf32, #tpu.memory_space<vmem>>[vector<16xi32>, vector<16xi32>], vector<16xf32>,
      %mul3A_773 = arith.constant 8 : i32
      %mul3A_774 = arith.muli %mul3A_549, %mul3A_773 : i32
      %add3A_775 = arith.constant 5 : i32
      %add3A_776 = arith.addi %mul3A_774, %add3A_775 : i32
      %mul3A_777 = arith.constant 32 : i32
      %mul3A_778 = arith.muli %add3A_776, %mul3A_777 : i32
      %swap3A_779 = arith.index_cast %mul3A_778 : i32 to index
      %swap3A_780 = tpu.vector_load %arg6[%swap3A_779] {strides = array<i32>} : memref<16384xf32, #tpu.memory_space<vmem>>, vector<16xf32>,
      tpu.vector_store %arg6[%swap3A_779], %gather3A_771 {strides = array<i32>} : memref<16384xf32, #tpu.memory_space<vmem>>, vector<16xf32>,
      %add3A_781 = arith.constant 16 : i32
      %add3A_782 = arith.addi %mul3A_778, %add3A_781 : i32
      %swap3A_783 = arith.index_cast %add3A_782 : i32 to index
      %swap3A_784 = tpu.vector_load %arg6[%swap3A_783] {strides = array<i32>} : memref<16384xf32, #tpu.memory_space<vmem>>, vector<16xf32>,
      tpu.vector_store %arg6[%swap3A_783], %gather3A_772 {strides = array<i32>} : memref<16384xf32, #tpu.memory_space<vmem>>, vector<16xf32>,
      %dma_wait3A_785 = arith.constant 0 : i32
      %dma_wait3A_786 = arith.constant 0 : i32
      %dma_wait3A_787 = tpu.memref_slice %arg3[%dma_wait3A_785, %dma_wait3A_786] : memref<32x1000001xf32, #tpu.memory_space<hbm>> -> memref<32x128xf32, #tpu.memory_space<hbm>>
      %dma_wait3A_788 = arith.constant 0 : i32
      %dma_wait3A_789 = arith.constant 0 : i32
      %dma_wait3A_790 = tpu.memref_slice %arg3[%dma_wait3A_788, %dma_wait3A_789] : memref<32x1000001xf32, #tpu.memory_space<hbm>> -> memref<32x128xf32, #tpu.memory_space<hbm>>
      tpu.wait_dma2 semaphore(%arg23 : memref<!tpu.dma_semaphore, #tpu.memory_space<semaphore_mem>>) src(%dma_wait3A_790 : memref<32x128xf32, #tpu.memory_space<hbm>>) dst(%arg13 : memref<32x128xf32, #tpu.memory_space<vmem>>)
      %slice3A_791 = vector.extract_strided_slice %add3A_556 {offsets = [6], sizes = [1], strides = [1]} : vector<16xi32> to vector<1xi32>
      %squeeze3A_792 = vector.extract %slice3A_791[0] : i32 from vector<1xi32>
      %jit3A_793 = arith.constant 128 : i32
      %eq3A_794 = arith.constant 0 : i32
      %eq3A_795 = arith.cmpi eq, %jit3A_793, %eq3A_794 : i32
      %jit3A_796 = arith.constant 1 : i32
      %select_n3A_797 = arith.select %eq3A_795, %jit3A_796, %jit3A_793 : i32
      %rem3A_798 = arith.remsi %squeeze3A_792, %select_n3A_797 : i32
      %ne3A_799 = arith.constant 0 : i32
      %ne3A_800 = arith.cmpi ne, %rem3A_798, %ne3A_799 : i32
      %lt3A_801 = arith.constant 0 : i32
      %lt3A_802 = arith.cmpi slt, %rem3A_798, %lt3A_801 : i32
      %lt3A_803 = arith.constant 0 : i32
      %lt3A_804 = arith.cmpi slt, %select_n3A_797, %lt3A_803 : i32
      %ne3A_805 = arith.xori %lt3A_802, %lt3A_804 : i1
      %and3A_806 = arith.andi %ne3A_805, %ne3A_800 : i1
      %add3A_807 = arith.addi %rem3A_798, %select_n3A_797 : i32
      %select_n3A_808 = arith.select %and3A_806, %add3A_807, %rem3A_798 : i32
      %broadcast_in_dim3A_809 = vector.broadcast %select_n3A_808 : i32 to vector<16xi32>
      %gather3A_810 = tpu.vector_load_idx %arg13[%iota3A, %broadcast_in_dim3A_809] : memref<32x128xf32, #tpu.memory_space<vmem>>[vector<16xi32>, vector<16xi32>], vector<16xf32>,
      %gather3A_811 = tpu.vector_load_idx %arg13[%add3A_5, %broadcast_in_dim3A_809] : memref<32x128xf32, #tpu.memory_space<vmem>>[vector<16xi32>, vector<16xi32>], vector<16xf32>,
      %mul3A_812 = arith.constant 8 : i32
      %mul3A_813 = arith.muli %mul3A_549, %mul3A_812 : i32
      %add3A_814 = arith.constant 6 : i32
      %add3A_815 = arith.addi %mul3A_813, %add3A_814 : i32
      %mul3A_816 = arith.constant 32 : i32
      %mul3A_817 = arith.muli %add3A_815, %mul3A_816 : i32
      %swap3A_818 = arith.index_cast %mul3A_817 : i32 to index
      %swap3A_819 = tpu.vector_load %arg6[%swap3A_818] {strides = array<i32>} : memref<16384xf32, #tpu.memory_space<vmem>>, vector<16xf32>,
      tpu.vector_store %arg6[%swap3A_818], %gather3A_810 {strides = array<i32>} : memref<16384xf32, #tpu.memory_space<vmem>>, vector<16xf32>,
      %add3A_820 = arith.constant 16 : i32
      %add3A_821 = arith.addi %mul3A_817, %add3A_820 : i32
      %swap3A_822 = arith.index_cast %add3A_821 : i32 to index
      %swap3A_823 = tpu.vector_load %arg6[%swap3A_822] {strides = array<i32>} : memref<16384xf32, #tpu.memory_space<vmem>>, vector<16xf32>,
      tpu.vector_store %arg6[%swap3A_822], %gather3A_811 {strides = array<i32>} : memref<16384xf32, #tpu.memory_space<vmem>>, vector<16xf32>,
      %dma_wait3A_824 = arith.constant 0 : i32
      %dma_wait3A_825 = arith.constant 0 : i32
      %dma_wait3A_826 = tpu.memref_slice %arg3[%dma_wait3A_824, %dma_wait3A_825] : memref<32x1000001xf32, #tpu.memory_space<hbm>> -> memref<32x128xf32, #tpu.memory_space<hbm>>
      %dma_wait3A_827 = arith.constant 0 : i32
      %dma_wait3A_828 = arith.constant 0 : i32
      %dma_wait3A_829 = tpu.memref_slice %arg3[%dma_wait3A_827, %dma_wait3A_828] : memref<32x1000001xf32, #tpu.memory_space<hbm>> -> memref<32x128xf32, #tpu.memory_space<hbm>>
      tpu.wait_dma2 semaphore(%arg23 : memref<!tpu.dma_semaphore, #tpu.memory_space<semaphore_mem>>) src(%dma_wait3A_829 : memref<32x128xf32, #tpu.memory_space<hbm>>) dst(%arg14 : memref<32x128xf32, #tpu.memory_space<vmem>>)
      %slice3A_830 = vector.extract_strided_slice %add3A_556 {offsets = [7], sizes = [1], strides = [1]} : vector<16xi32> to vector<1xi32>
      %squeeze3A_831 = vector.extract %slice3A_830[0] : i32 from vector<1xi32>
      %jit3A_832 = arith.constant 128 : i32
      %eq3A_833 = arith.constant 0 : i32
      %eq3A_834 = arith.cmpi eq, %jit3A_832, %eq3A_833 : i32
      %jit3A_835 = arith.constant 1 : i32
      %select_n3A_836 = arith.select %eq3A_834, %jit3A_835, %jit3A_832 : i32
      %rem3A_837 = arith.remsi %squeeze3A_831, %select_n3A_836 : i32
      %ne3A_838 = arith.constant 0 : i32
      %ne3A_839 = arith.cmpi ne, %rem3A_837, %ne3A_838 : i32
      %lt3A_840 = arith.constant 0 : i32
      %lt3A_841 = arith.cmpi slt, %rem3A_837, %lt3A_840 : i32
      %lt3A_842 = arith.constant 0 : i32
      %lt3A_843 = arith.cmpi slt, %select_n3A_836, %lt3A_842 : i32
      %ne3A_844 = arith.xori %lt3A_841, %lt3A_843 : i1
      %and3A_845 = arith.andi %ne3A_844, %ne3A_839 : i1
      %add3A_846 = arith.addi %rem3A_837, %select_n3A_836 : i32
      %select_n3A_847 = arith.select %and3A_845, %add3A_846, %rem3A_837 : i32
      %broadcast_in_dim3A_848 = vector.broadcast %select_n3A_847 : i32 to vector<16xi32>
      %gather3A_849 = tpu.vector_load_idx %arg14[%iota3A, %broadcast_in_dim3A_848] : memref<32x128xf32, #tpu.memory_space<vmem>>[vector<16xi32>, vector<16xi32>], vector<16xf32>,
      %gather3A_850 = tpu.vector_load_idx %arg14[%add3A_5, %broadcast_in_dim3A_848] : memref<32x128xf32, #tpu.memory_space<vmem>>[vector<16xi32>, vector<16xi32>], vector<16xf32>,
      %mul3A_851 = arith.constant 8 : i32
      %mul3A_852 = arith.muli %mul3A_549, %mul3A_851 : i32
      %add3A_853 = arith.constant 7 : i32
      %add3A_854 = arith.addi %mul3A_852, %add3A_853 : i32
      %mul3A_855 = arith.constant 32 : i32
      %mul3A_856 = arith.muli %add3A_854, %mul3A_855 : i32
      %swap3A_857 = arith.index_cast %mul3A_856 : i32 to index
      %swap3A_858 = tpu.vector_load %arg6[%swap3A_857] {strides = array<i32>} : memref<16384xf32, #tpu.memory_space<vmem>>, vector<16xf32>,
      tpu.vector_store %arg6[%swap3A_857], %gather3A_849 {strides = array<i32>} : memref<16384xf32, #tpu.memory_space<vmem>>, vector<16xf32>,
      %add3A_859 = arith.constant 16 : i32
      %add3A_860 = arith.addi %mul3A_856, %add3A_859 : i32
      %swap3A_861 = arith.index_cast %add3A_860 : i32 to index
      %swap3A_862 = tpu.vector_load %arg6[%swap3A_861] {strides = array<i32>} : memref<16384xf32, #tpu.memory_space<vmem>>, vector<16xf32>,
      tpu.vector_store %arg6[%swap3A_861], %gather3A_850 {strides = array<i32>} : memref<16384xf32, #tpu.memory_space<vmem>>, vector<16xf32>,
      %mul3A_863 = arith.constant 2 : i32
      %mul3A_864 = arith.muli %mul3A_863, %add3A_272 : i32
      %add3A_865 = arith.constant 2 : i32
      %add3A_866 = arith.addi %mul3A_864, %add3A_865 : i32
      %lt3A_867 = arith.constant 64 : i32
      %lt3A_868 = arith.cmpi slt, %add3A_866, %lt3A_867 : i32
      %convert_element_type3A = arith.extui %lt3A_868 : i1 to i32
      %cond3A = arith.constant 0 : i32
      %cond3A_869 = arith.cmpi ne, %convert_element_type3A, %cond3A : i32
      scf.if %cond3A_869 {
        %mul3A_1193 = arith.constant 2 : i32
        %mul3A_1194 = arith.muli %mul3A_1193, %add3A_272 : i32
        %add3A_1195 = arith.constant 2 : i32
        %add3A_1196 = arith.addi %mul3A_1194, %add3A_1195 : i32
        %mul3A_1197 = arith.constant 8 : i32
        %mul3A_1198 = arith.muli %add3A_1196, %mul3A_1197 : i32
        %get3A_1199 = arith.index_cast %mul3A_1198 : i32 to index
        %get3A_1200 = tpu.vector_load %arg5[%get3A_1199] {strides = array<i32>} : memref<528xi32, #tpu.memory_space<vmem>>, vector<16xi32>,
        %add3A_1201 = arith.constant 1 : i32
        %add3A_1202 = vector.broadcast %add3A_1201 : i32 to vector<16xi32>
        %add3A_1203 = arith.addi %get3A_1200, %add3A_1202 : vector<16xi32>
        %slice3A_1204 = vector.extract_strided_slice %add3A_1203 {offsets = [0], sizes = [1], strides = [1]} : vector<16xi32> to vector<1xi32>
        %squeeze3A_1205 = vector.extract %slice3A_1204[0] : i32 from vector<1xi32>
        %jit3A_1206 = arith.constant 128 : i32
        %div3A_1207 = arith.divsi %squeeze3A_1205, %jit3A_1206 : i32
        %sign3A_1208 = arith.constant 0 : i32
        %sign3A_1209 = arith.cmpi sgt, %squeeze3A_1205, %sign3A_1208 : i32
        %sign3A_1210 = arith.extui %sign3A_1209 : i1 to i32
        %sign3A_1211 = arith.constant 0 : i32
        %sign3A_1212 = arith.cmpi slt, %squeeze3A_1205, %sign3A_1211 : i32
        %sign3A_1213 = arith.extui %sign3A_1212 : i1 to i32
        %sign3A_1214 = arith.subi %sign3A_1210, %sign3A_1213 : i32
        %sign3A_1215 = arith.constant 0 : i32
        %sign3A_1216 = arith.cmpi sgt, %jit3A_1206, %sign3A_1215 : i32
        %sign3A_1217 = arith.extui %sign3A_1216 : i1 to i32
        %sign3A_1218 = arith.constant 0 : i32
        %sign3A_1219 = arith.cmpi slt, %jit3A_1206, %sign3A_1218 : i32
        %sign3A_1220 = arith.extui %sign3A_1219 : i1 to i32
        %sign3A_1221 = arith.subi %sign3A_1217, %sign3A_1220 : i32
        %ne3A_1222 = arith.cmpi ne, %sign3A_1214, %sign3A_1221 : i32
        %rem3A_1223 = arith.remsi %squeeze3A_1205, %jit3A_1206 : i32
        %ne3A_1224 = arith.constant 0 : i32
        %ne3A_1225 = arith.cmpi ne, %rem3A_1223, %ne3A_1224 : i32
        %and3A_1226 = arith.andi %ne3A_1222, %ne3A_1225 : i1
        %sub3A_1227 = arith.constant 1 : i32
        %sub3A_1228 = arith.subi %div3A_1207, %sub3A_1227 : i32
        %select_n3A_1229 = arith.select %and3A_1226, %sub3A_1228, %div3A_1207 : i32
        %mul3A_1230 = arith.constant 128 : i32
        %mul3A_1231 = arith.muli %select_n3A_1229, %mul3A_1230 : i32
        %multiple_of3A_1232 = tpu.assume_multiple %mul3A_1231, 128 : i32
        %dma_start3A_1233 = arith.constant 0 : i32
        %dma_start3A_1234 = tpu.memref_slice %arg3[%dma_start3A_1233, %multiple_of3A_1232] : memref<32x1000001xf32, #tpu.memory_space<hbm>> -> memref<32x128xf32, #tpu.memory_space<hbm>>
        %dma_start3A_1235 = arith.constant 0 : i32
        %dma_start3A_1236 = tpu.memref_slice %arg3[%dma_start3A_1235, %multiple_of3A_1232] : memref<32x1000001xf32, #tpu.memory_space<hbm>> -> memref<32x128xf32, #tpu.memory_space<hbm>>
        tpu.enqueue_dma source(%dma_start3A_1236 : memref<32x128xf32, #tpu.memory_space<hbm>>) target(%arg7 : memref<32x128xf32, #tpu.memory_space<vmem>>) target_semaphore(%arg23 : memref<!tpu.dma_semaphore, #tpu.memory_space<semaphore_mem>>)
        %slice3A_1237 = vector.extract_strided_slice %add3A_1203 {offsets = [1], sizes = [1], strides = [1]} : vector<16xi32> to vector<1xi32>
        %squeeze3A_1238 = vector.extract %slice3A_1237[0] : i32 from vector<1xi32>
        %jit3A_1239 = arith.constant 128 : i32
        %div3A_1240 = arith.divsi %squeeze3A_1238, %jit3A_1239 : i32
        %sign3A_1241 = arith.constant 0 : i32
        %sign3A_1242 = arith.cmpi sgt, %squeeze3A_1238, %sign3A_1241 : i32
        %sign3A_1243 = arith.extui %sign3A_1242 : i1 to i32
        %sign3A_1244 = arith.constant 0 : i32
        %sign3A_1245 = arith.cmpi slt, %squeeze3A_1238, %sign3A_1244 : i32
        %sign3A_1246 = arith.extui %sign3A_1245 : i1 to i32
        %sign3A_1247 = arith.subi %sign3A_1243, %sign3A_1246 : i32
        %sign3A_1248 = arith.constant 0 : i32
        %sign3A_1249 = arith.cmpi sgt, %jit3A_1239, %sign3A_1248 : i32
        %sign3A_1250 = arith.extui %sign3A_1249 : i1 to i32
        %sign3A_1251 = arith.constant 0 : i32
        %sign3A_1252 = arith.cmpi slt, %jit3A_1239, %sign3A_1251 : i32
        %sign3A_1253 = arith.extui %sign3A_1252 : i1 to i32
        %sign3A_1254 = arith.subi %sign3A_1250, %sign3A_1253 : i32
        %ne3A_1255 = arith.cmpi ne, %sign3A_1247, %sign3A_1254 : i32
        %rem3A_1256 = arith.remsi %squeeze3A_1238, %jit3A_1239 : i32
        %ne3A_1257 = arith.constant 0 : i32
        %ne3A_1258 = arith.cmpi ne, %rem3A_1256, %ne3A_1257 : i32
        %and3A_1259 = arith.andi %ne3A_1255, %ne3A_1258 : i1
        %sub3A_1260 = arith.constant 1 : i32
        %sub3A_1261 = arith.subi %div3A_1240, %sub3A_1260 : i32
        %select_n3A_1262 = arith.select %and3A_1259, %sub3A_1261, %div3A_1240 : i32
        %mul3A_1263 = arith.constant 128 : i32
        %mul3A_1264 = arith.muli %select_n3A_1262, %mul3A_1263 : i32
        %multiple_of3A_1265 = tpu.assume_multiple %mul3A_1264, 128 : i32
        %dma_start3A_1266 = arith.constant 0 : i32
        %dma_start3A_1267 = tpu.memref_slice %arg3[%dma_start3A_1266, %multiple_of3A_1265] : memref<32x1000001xf32, #tpu.memory_space<hbm>> -> memref<32x128xf32, #tpu.memory_space<hbm>>
        %dma_start3A_1268 = arith.constant 0 : i32
        %dma_start3A_1269 = tpu.memref_slice %arg3[%dma_start3A_1268, %multiple_of3A_1265] : memref<32x1000001xf32, #tpu.memory_space<hbm>> -> memref<32x128xf32, #tpu.memory_space<hbm>>
        tpu.enqueue_dma source(%dma_start3A_1269 : memref<32x128xf32, #tpu.memory_space<hbm>>) target(%arg8 : memref<32x128xf32, #tpu.memory_space<vmem>>) target_semaphore(%arg23 : memref<!tpu.dma_semaphore, #tpu.memory_space<semaphore_mem>>)
        %slice3A_1270 = vector.extract_strided_slice %add3A_1203 {offsets = [2], sizes = [1], strides = [1]} : vector<16xi32> to vector<1xi32>
        %squeeze3A_1271 = vector.extract %slice3A_1270[0] : i32 from vector<1xi32>
        %jit3A_1272 = arith.constant 128 : i32
        %div3A_1273 = arith.divsi %squeeze3A_1271, %jit3A_1272 : i32
        %sign3A_1274 = arith.constant 0 : i32
        %sign3A_1275 = arith.cmpi sgt, %squeeze3A_1271, %sign3A_1274 : i32
        %sign3A_1276 = arith.extui %sign3A_1275 : i1 to i32
        %sign3A_1277 = arith.constant 0 : i32
        %sign3A_1278 = arith.cmpi slt, %squeeze3A_1271, %sign3A_1277 : i32
        %sign3A_1279 = arith.extui %sign3A_1278 : i1 to i32
        %sign3A_1280 = arith.subi %sign3A_1276, %sign3A_1279 : i32
        %sign3A_1281 = arith.constant 0 : i32
        %sign3A_1282 = arith.cmpi sgt, %jit3A_1272, %sign3A_1281 : i32
        %sign3A_1283 = arith.extui %sign3A_1282 : i1 to i32
        %sign3A_1284 = arith.constant 0 : i32
        %sign3A_1285 = arith.cmpi slt, %jit3A_1272, %sign3A_1284 : i32
        %sign3A_1286 = arith.extui %sign3A_1285 : i1 to i32
        %sign3A_1287 = arith.subi %sign3A_1283, %sign3A_1286 : i32
        %ne3A_1288 = arith.cmpi ne, %sign3A_1280, %sign3A_1287 : i32
        %rem3A_1289 = arith.remsi %squeeze3A_1271, %jit3A_1272 : i32
        %ne3A_1290 = arith.constant 0 : i32
        %ne3A_1291 = arith.cmpi ne, %rem3A_1289, %ne3A_1290 : i32
        %and3A_1292 = arith.andi %ne3A_1288, %ne3A_1291 : i1
        %sub3A_1293 = arith.constant 1 : i32
        %sub3A_1294 = arith.subi %div3A_1273, %sub3A_1293 : i32
        %select_n3A_1295 = arith.select %and3A_1292, %sub3A_1294, %div3A_1273 : i32
        %mul3A_1296 = arith.constant 128 : i32
        %mul3A_1297 = arith.muli %select_n3A_1295, %mul3A_1296 : i32
        %multiple_of3A_1298 = tpu.assume_multiple %mul3A_1297, 128 : i32
        %dma_start3A_1299 = arith.constant 0 : i32
        %dma_start3A_1300 = tpu.memref_slice %arg3[%dma_start3A_1299, %multiple_of3A_1298] : memref<32x1000001xf32, #tpu.memory_space<hbm>> -> memref<32x128xf32, #tpu.memory_space<hbm>>
        %dma_start3A_1301 = arith.constant 0 : i32
        %dma_start3A_1302 = tpu.memref_slice %arg3[%dma_start3A_1301, %multiple_of3A_1298] : memref<32x1000001xf32, #tpu.memory_space<hbm>> -> memref<32x128xf32, #tpu.memory_space<hbm>>
        tpu.enqueue_dma source(%dma_start3A_1302 : memref<32x128xf32, #tpu.memory_space<hbm>>) target(%arg9 : memref<32x128xf32, #tpu.memory_space<vmem>>) target_semaphore(%arg23 : memref<!tpu.dma_semaphore, #tpu.memory_space<semaphore_mem>>)
        %slice3A_1303 = vector.extract_strided_slice %add3A_1203 {offsets = [3], sizes = [1], strides = [1]} : vector<16xi32> to vector<1xi32>
        %squeeze3A_1304 = vector.extract %slice3A_1303[0] : i32 from vector<1xi32>
        %jit3A_1305 = arith.constant 128 : i32
        %div3A_1306 = arith.divsi %squeeze3A_1304, %jit3A_1305 : i32
        %sign3A_1307 = arith.constant 0 : i32
        %sign3A_1308 = arith.cmpi sgt, %squeeze3A_1304, %sign3A_1307 : i32
        %sign3A_1309 = arith.extui %sign3A_1308 : i1 to i32
        %sign3A_1310 = arith.constant 0 : i32
        %sign3A_1311 = arith.cmpi slt, %squeeze3A_1304, %sign3A_1310 : i32
        %sign3A_1312 = arith.extui %sign3A_1311 : i1 to i32
        %sign3A_1313 = arith.subi %sign3A_1309, %sign3A_1312 : i32
        %sign3A_1314 = arith.constant 0 : i32
        %sign3A_1315 = arith.cmpi sgt, %jit3A_1305, %sign3A_1314 : i32
        %sign3A_1316 = arith.extui %sign3A_1315 : i1 to i32
        %sign3A_1317 = arith.constant 0 : i32
        %sign3A_1318 = arith.cmpi slt, %jit3A_1305, %sign3A_1317 : i32
        %sign3A_1319 = arith.extui %sign3A_1318 : i1 to i32
        %sign3A_1320 = arith.subi %sign3A_1316, %sign3A_1319 : i32
        %ne3A_1321 = arith.cmpi ne, %sign3A_1313, %sign3A_1320 : i32
        %rem3A_1322 = arith.remsi %squeeze3A_1304, %jit3A_1305 : i32
        %ne3A_1323 = arith.constant 0 : i32
        %ne3A_1324 = arith.cmpi ne, %rem3A_1322, %ne3A_1323 : i32
        %and3A_1325 = arith.andi %ne3A_1321, %ne3A_1324 : i1
        %sub3A_1326 = arith.constant 1 : i32
        %sub3A_1327 = arith.subi %div3A_1306, %sub3A_1326 : i32
        %select_n3A_1328 = arith.select %and3A_1325, %sub3A_1327, %div3A_1306 : i32
        %mul3A_1329 = arith.constant 128 : i32
        %mul3A_1330 = arith.muli %select_n3A_1328, %mul3A_1329 : i32
        %multiple_of3A_1331 = tpu.assume_multiple %mul3A_1330, 128 : i32
        %dma_start3A_1332 = arith.constant 0 : i32
        %dma_start3A_1333 = tpu.memref_slice %arg3[%dma_start3A_1332, %multiple_of3A_1331] : memref<32x1000001xf32, #tpu.memory_space<hbm>> -> memref<32x128xf32, #tpu.memory_space<hbm>>
        %dma_start3A_1334 = arith.constant 0 : i32
        %dma_start3A_1335 = tpu.memref_slice %arg3[%dma_start3A_1334, %multiple_of3A_1331] : memref<32x1000001xf32, #tpu.memory_space<hbm>> -> memref<32x128xf32, #tpu.memory_space<hbm>>
        tpu.enqueue_dma source(%dma_start3A_1335 : memref<32x128xf32, #tpu.memory_space<hbm>>) target(%arg10 : memref<32x128xf32, #tpu.memory_space<vmem>>) target_semaphore(%arg23 : memref<!tpu.dma_semaphore, #tpu.memory_space<semaphore_mem>>)
        %slice3A_1336 = vector.extract_strided_slice %add3A_1203 {offsets = [4], sizes = [1], strides = [1]} : vector<16xi32> to vector<1xi32>
        %squeeze3A_1337 = vector.extract %slice3A_1336[0] : i32 from vector<1xi32>
        %jit3A_1338 = arith.constant 128 : i32
        %div3A_1339 = arith.divsi %squeeze3A_1337, %jit3A_1338 : i32
        %sign3A_1340 = arith.constant 0 : i32
        %sign3A_1341 = arith.cmpi sgt, %squeeze3A_1337, %sign3A_1340 : i32
        %sign3A_1342 = arith.extui %sign3A_1341 : i1 to i32
        %sign3A_1343 = arith.constant 0 : i32
        %sign3A_1344 = arith.cmpi slt, %squeeze3A_1337, %sign3A_1343 : i32
        %sign3A_1345 = arith.extui %sign3A_1344 : i1 to i32
        %sign3A_1346 = arith.subi %sign3A_1342, %sign3A_1345 : i32
        %sign3A_1347 = arith.constant 0 : i32
        %sign3A_1348 = arith.cmpi sgt, %jit3A_1338, %sign3A_1347 : i32
        %sign3A_1349 = arith.extui %sign3A_1348 : i1 to i32
        %sign3A_1350 = arith.constant 0 : i32
        %sign3A_1351 = arith.cmpi slt, %jit3A_1338, %sign3A_1350 : i32
        %sign3A_1352 = arith.extui %sign3A_1351 : i1 to i32
        %sign3A_1353 = arith.subi %sign3A_1349, %sign3A_1352 : i32
        %ne3A_1354 = arith.cmpi ne, %sign3A_1346, %sign3A_1353 : i32
        %rem3A_1355 = arith.remsi %squeeze3A_1337, %jit3A_1338 : i32
        %ne3A_1356 = arith.constant 0 : i32
        %ne3A_1357 = arith.cmpi ne, %rem3A_1355, %ne3A_1356 : i32
        %and3A_1358 = arith.andi %ne3A_1354, %ne3A_1357 : i1
        %sub3A_1359 = arith.constant 1 : i32
        %sub3A_1360 = arith.subi %div3A_1339, %sub3A_1359 : i32
        %select_n3A_1361 = arith.select %and3A_1358, %sub3A_1360, %div3A_1339 : i32
        %mul3A_1362 = arith.constant 128 : i32
        %mul3A_1363 = arith.muli %select_n3A_1361, %mul3A_1362 : i32
        %multiple_of3A_1364 = tpu.assume_multiple %mul3A_1363, 128 : i32
        %dma_start3A_1365 = arith.constant 0 : i32
        %dma_start3A_1366 = tpu.memref_slice %arg3[%dma_start3A_1365, %multiple_of3A_1364] : memref<32x1000001xf32, #tpu.memory_space<hbm>> -> memref<32x128xf32, #tpu.memory_space<hbm>>
        %dma_start3A_1367 = arith.constant 0 : i32
        %dma_start3A_1368 = tpu.memref_slice %arg3[%dma_start3A_1367, %multiple_of3A_1364] : memref<32x1000001xf32, #tpu.memory_space<hbm>> -> memref<32x128xf32, #tpu.memory_space<hbm>>
        tpu.enqueue_dma source(%dma_start3A_1368 : memref<32x128xf32, #tpu.memory_space<hbm>>) target(%arg11 : memref<32x128xf32, #tpu.memory_space<vmem>>) target_semaphore(%arg23 : memref<!tpu.dma_semaphore, #tpu.memory_space<semaphore_mem>>)
        %slice3A_1369 = vector.extract_strided_slice %add3A_1203 {offsets = [5], sizes = [1], strides = [1]} : vector<16xi32> to vector<1xi32>
        %squeeze3A_1370 = vector.extract %slice3A_1369[0] : i32 from vector<1xi32>
        %jit3A_1371 = arith.constant 128 : i32
        %div3A_1372 = arith.divsi %squeeze3A_1370, %jit3A_1371 : i32
        %sign3A_1373 = arith.constant 0 : i32
        %sign3A_1374 = arith.cmpi sgt, %squeeze3A_1370, %sign3A_1373 : i32
        %sign3A_1375 = arith.extui %sign3A_1374 : i1 to i32
        %sign3A_1376 = arith.constant 0 : i32
        %sign3A_1377 = arith.cmpi slt, %squeeze3A_1370, %sign3A_1376 : i32
        %sign3A_1378 = arith.extui %sign3A_1377 : i1 to i32
        %sign3A_1379 = arith.subi %sign3A_1375, %sign3A_1378 : i32
        %sign3A_1380 = arith.constant 0 : i32
        %sign3A_1381 = arith.cmpi sgt, %jit3A_1371, %sign3A_1380 : i32
        %sign3A_1382 = arith.extui %sign3A_1381 : i1 to i32
        %sign3A_1383 = arith.constant 0 : i32
        %sign3A_1384 = arith.cmpi slt, %jit3A_1371, %sign3A_1383 : i32
        %sign3A_1385 = arith.extui %sign3A_1384 : i1 to i32
        %sign3A_1386 = arith.subi %sign3A_1382, %sign3A_1385 : i32
        %ne3A_1387 = arith.cmpi ne, %sign3A_1379, %sign3A_1386 : i32
        %rem3A_1388 = arith.remsi %squeeze3A_1370, %jit3A_1371 : i32
        %ne3A_1389 = arith.constant 0 : i32
        %ne3A_1390 = arith.cmpi ne, %rem3A_1388, %ne3A_1389 : i32
        %and3A_1391 = arith.andi %ne3A_1387, %ne3A_1390 : i1
        %sub3A_1392 = arith.constant 1 : i32
        %sub3A_1393 = arith.subi %div3A_1372, %sub3A_1392 : i32
        %select_n3A_1394 = arith.select %and3A_1391, %sub3A_1393, %div3A_1372 : i32
        %mul3A_1395 = arith.constant 128 : i32
        %mul3A_1396 = arith.muli %select_n3A_1394, %mul3A_1395 : i32
        %multiple_of3A_1397 = tpu.assume_multiple %mul3A_1396, 128 : i32
        %dma_start3A_1398 = arith.constant 0 : i32
        %dma_start3A_1399 = tpu.memref_slice %arg3[%dma_start3A_1398, %multiple_of3A_1397] : memref<32x1000001xf32, #tpu.memory_space<hbm>> -> memref<32x128xf32, #tpu.memory_space<hbm>>
        %dma_start3A_1400 = arith.constant 0 : i32
        %dma_start3A_1401 = tpu.memref_slice %arg3[%dma_start3A_1400, %multiple_of3A_1397] : memref<32x1000001xf32, #tpu.memory_space<hbm>> -> memref<32x128xf32, #tpu.memory_space<hbm>>
        tpu.enqueue_dma source(%dma_start3A_1401 : memref<32x128xf32, #tpu.memory_space<hbm>>) target(%arg12 : memref<32x128xf32, #tpu.memory_space<vmem>>) target_semaphore(%arg23 : memref<!tpu.dma_semaphore, #tpu.memory_space<semaphore_mem>>)
        %slice3A_1402 = vector.extract_strided_slice %add3A_1203 {offsets = [6], sizes = [1], strides = [1]} : vector<16xi32> to vector<1xi32>
        %squeeze3A_1403 = vector.extract %slice3A_1402[0] : i32 from vector<1xi32>
        %jit3A_1404 = arith.constant 128 : i32
        %div3A_1405 = arith.divsi %squeeze3A_1403, %jit3A_1404 : i32
        %sign3A_1406 = arith.constant 0 : i32
        %sign3A_1407 = arith.cmpi sgt, %squeeze3A_1403, %sign3A_1406 : i32
        %sign3A_1408 = arith.extui %sign3A_1407 : i1 to i32
        %sign3A_1409 = arith.constant 0 : i32
        %sign3A_1410 = arith.cmpi slt, %squeeze3A_1403, %sign3A_1409 : i32
        %sign3A_1411 = arith.extui %sign3A_1410 : i1 to i32
        %sign3A_1412 = arith.subi %sign3A_1408, %sign3A_1411 : i32
        %sign3A_1413 = arith.constant 0 : i32
        %sign3A_1414 = arith.cmpi sgt, %jit3A_1404, %sign3A_1413 : i32
        %sign3A_1415 = arith.extui %sign3A_1414 : i1 to i32
        %sign3A_1416 = arith.constant 0 : i32
        %sign3A_1417 = arith.cmpi slt, %jit3A_1404, %sign3A_1416 : i32
        %sign3A_1418 = arith.extui %sign3A_1417 : i1 to i32
        %sign3A_1419 = arith.subi %sign3A_1415, %sign3A_1418 : i32
        %ne3A_1420 = arith.cmpi ne, %sign3A_1412, %sign3A_1419 : i32
        %rem3A_1421 = arith.remsi %squeeze3A_1403, %jit3A_1404 : i32
        %ne3A_1422 = arith.constant 0 : i32
        %ne3A_1423 = arith.cmpi ne, %rem3A_1421, %ne3A_1422 : i32
        %and3A_1424 = arith.andi %ne3A_1420, %ne3A_1423 : i1
        %sub3A_1425 = arith.constant 1 : i32
        %sub3A_1426 = arith.subi %div3A_1405, %sub3A_1425 : i32
        %select_n3A_1427 = arith.select %and3A_1424, %sub3A_1426, %div3A_1405 : i32
        %mul3A_1428 = arith.constant 128 : i32
        %mul3A_1429 = arith.muli %select_n3A_1427, %mul3A_1428 : i32
        %multiple_of3A_1430 = tpu.assume_multiple %mul3A_1429, 128 : i32
        %dma_start3A_1431 = arith.constant 0 : i32
        %dma_start3A_1432 = tpu.memref_slice %arg3[%dma_start3A_1431, %multiple_of3A_1430] : memref<32x1000001xf32, #tpu.memory_space<hbm>> -> memref<32x128xf32, #tpu.memory_space<hbm>>
        %dma_start3A_1433 = arith.constant 0 : i32
        %dma_start3A_1434 = tpu.memref_slice %arg3[%dma_start3A_1433, %multiple_of3A_1430] : memref<32x1000001xf32, #tpu.memory_space<hbm>> -> memref<32x128xf32, #tpu.memory_space<hbm>>
        tpu.enqueue_dma source(%dma_start3A_1434 : memref<32x128xf32, #tpu.memory_space<hbm>>) target(%arg13 : memref<32x128xf32, #tpu.memory_space<vmem>>) target_semaphore(%arg23 : memref<!tpu.dma_semaphore, #tpu.memory_space<semaphore_mem>>)
        %slice3A_1435 = vector.extract_strided_slice %add3A_1203 {offsets = [7], sizes = [1], strides = [1]} : vector<16xi32> to vector<1xi32>
        %squeeze3A_1436 = vector.extract %slice3A_1435[0] : i32 from vector<1xi32>
        %jit3A_1437 = arith.constant 128 : i32
        %div3A_1438 = arith.divsi %squeeze3A_1436, %jit3A_1437 : i32
        %sign3A_1439 = arith.constant 0 : i32
        %sign3A_1440 = arith.cmpi sgt, %squeeze3A_1436, %sign3A_1439 : i32
        %sign3A_1441 = arith.extui %sign3A_1440 : i1 to i32
        %sign3A_1442 = arith.constant 0 : i32
        %sign3A_1443 = arith.cmpi slt, %squeeze3A_1436, %sign3A_1442 : i32
        %sign3A_1444 = arith.extui %sign3A_1443 : i1 to i32
        %sign3A_1445 = arith.subi %sign3A_1441, %sign3A_1444 : i32
        %sign3A_1446 = arith.constant 0 : i32
        %sign3A_1447 = arith.cmpi sgt, %jit3A_1437, %sign3A_1446 : i32
        %sign3A_1448 = arith.extui %sign3A_1447 : i1 to i32
        %sign3A_1449 = arith.constant 0 : i32
        %sign3A_1450 = arith.cmpi slt, %jit3A_1437, %sign3A_1449 : i32
        %sign3A_1451 = arith.extui %sign3A_1450 : i1 to i32
        %sign3A_1452 = arith.subi %sign3A_1448, %sign3A_1451 : i32
        %ne3A_1453 = arith.cmpi ne, %sign3A_1445, %sign3A_1452 : i32
        %rem3A_1454 = arith.remsi %squeeze3A_1436, %jit3A_1437 : i32
        %ne3A_1455 = arith.constant 0 : i32
        %ne3A_1456 = arith.cmpi ne, %rem3A_1454, %ne3A_1455 : i32
        %and3A_1457 = arith.andi %ne3A_1453, %ne3A_1456 : i1
        %sub3A_1458 = arith.constant 1 : i32
        %sub3A_1459 = arith.subi %div3A_1438, %sub3A_1458 : i32
        %select_n3A_1460 = arith.select %and3A_1457, %sub3A_1459, %div3A_1438 : i32
        %mul3A_1461 = arith.constant 128 : i32
        %mul3A_1462 = arith.muli %select_n3A_1460, %mul3A_1461 : i32
        %multiple_of3A_1463 = tpu.assume_multiple %mul3A_1462, 128 : i32
        %dma_start3A_1464 = arith.constant 0 : i32
        %dma_start3A_1465 = tpu.memref_slice %arg3[%dma_start3A_1464, %multiple_of3A_1463] : memref<32x1000001xf32, #tpu.memory_space<hbm>> -> memref<32x128xf32, #tpu.memory_space<hbm>>
        %dma_start3A_1466 = arith.constant 0 : i32
        %dma_start3A_1467 = tpu.memref_slice %arg3[%dma_start3A_1466, %multiple_of3A_1463] : memref<32x1000001xf32, #tpu.memory_space<hbm>> -> memref<32x128xf32, #tpu.memory_space<hbm>>
        tpu.enqueue_dma source(%dma_start3A_1467 : memref<32x128xf32, #tpu.memory_space<hbm>>) target(%arg14 : memref<32x128xf32, #tpu.memory_space<vmem>>) target_semaphore(%arg23 : memref<!tpu.dma_semaphore, #tpu.memory_space<semaphore_mem>>)
      } else {
      }
      %mul3A_870 = arith.constant 2 : i32
      %mul3A_871 = arith.muli %mul3A_870, %add3A_272 : i32
      %add3A_872 = arith.constant 1 : i32
      %add3A_873 = arith.addi %mul3A_871, %add3A_872 : i32
      %mul3A_874 = arith.constant 8 : i32
      %mul3A_875 = arith.muli %add3A_873, %mul3A_874 : i32
      %get3A_876 = arith.index_cast %mul3A_875 : i32 to index
      %get3A_877 = tpu.vector_load %arg5[%get3A_876] {strides = array<i32>} : memref<528xi32, #tpu.memory_space<vmem>>, vector<16xi32>,
      %add3A_878 = arith.constant 1 : i32
      %add3A_879 = vector.broadcast %add3A_878 : i32 to vector<16xi32>
      %add3A_880 = arith.addi %get3A_877, %add3A_879 : vector<16xi32>
      %dma_wait3A_881 = arith.constant 0 : i32
      %dma_wait3A_882 = arith.constant 0 : i32
      %dma_wait3A_883 = tpu.memref_slice %arg3[%dma_wait3A_881, %dma_wait3A_882] : memref<32x1000001xf32, #tpu.memory_space<hbm>> -> memref<32x128xf32, #tpu.memory_space<hbm>>
      %dma_wait3A_884 = arith.constant 0 : i32
      %dma_wait3A_885 = arith.constant 0 : i32
      %dma_wait3A_886 = tpu.memref_slice %arg3[%dma_wait3A_884, %dma_wait3A_885] : memref<32x1000001xf32, #tpu.memory_space<hbm>> -> memref<32x128xf32, #tpu.memory_space<hbm>>
      tpu.wait_dma2 semaphore(%arg23 : memref<!tpu.dma_semaphore, #tpu.memory_space<semaphore_mem>>) src(%dma_wait3A_886 : memref<32x128xf32, #tpu.memory_space<hbm>>) dst(%arg15 : memref<32x128xf32, #tpu.memory_space<vmem>>)
      %slice3A_887 = vector.extract_strided_slice %add3A_880 {offsets = [0], sizes = [1], strides = [1]} : vector<16xi32> to vector<1xi32>
      %squeeze3A_888 = vector.extract %slice3A_887[0] : i32 from vector<1xi32>
      %jit3A_889 = arith.constant 128 : i32
      %eq3A_890 = arith.constant 0 : i32
      %eq3A_891 = arith.cmpi eq, %jit3A_889, %eq3A_890 : i32
      %jit3A_892 = arith.constant 1 : i32
      %select_n3A_893 = arith.select %eq3A_891, %jit3A_892, %jit3A_889 : i32
      %rem3A_894 = arith.remsi %squeeze3A_888, %select_n3A_893 : i32
      %ne3A_895 = arith.constant 0 : i32
      %ne3A_896 = arith.cmpi ne, %rem3A_894, %ne3A_895 : i32
      %lt3A_897 = arith.constant 0 : i32
      %lt3A_898 = arith.cmpi slt, %rem3A_894, %lt3A_897 : i32
      %lt3A_899 = arith.constant 0 : i32
      %lt3A_900 = arith.cmpi slt, %select_n3A_893, %lt3A_899 : i32
      %ne3A_901 = arith.xori %lt3A_898, %lt3A_900 : i1
      %and3A_902 = arith.andi %ne3A_901, %ne3A_896 : i1
      %add3A_903 = arith.addi %rem3A_894, %select_n3A_893 : i32
      %select_n3A_904 = arith.select %and3A_902, %add3A_903, %rem3A_894 : i32
      %broadcast_in_dim3A_905 = vector.broadcast %select_n3A_904 : i32 to vector<16xi32>
      %gather3A_906 = tpu.vector_load_idx %arg15[%iota3A, %broadcast_in_dim3A_905] : memref<32x128xf32, #tpu.memory_space<vmem>>[vector<16xi32>, vector<16xi32>], vector<16xf32>,
      %gather3A_907 = tpu.vector_load_idx %arg15[%add3A_5, %broadcast_in_dim3A_905] : memref<32x128xf32, #tpu.memory_space<vmem>>[vector<16xi32>, vector<16xi32>], vector<16xf32>,
      %mul3A_908 = arith.constant 8 : i32
      %mul3A_909 = arith.muli %add3A_873, %mul3A_908 : i32
      %add3A_910 = arith.constant 0 : i32
      %add3A_911 = arith.addi %mul3A_909, %add3A_910 : i32
      %mul3A_912 = arith.constant 32 : i32
      %mul3A_913 = arith.muli %add3A_911, %mul3A_912 : i32
      %swap3A_914 = arith.index_cast %mul3A_913 : i32 to index
      %swap3A_915 = tpu.vector_load %arg6[%swap3A_914] {strides = array<i32>} : memref<16384xf32, #tpu.memory_space<vmem>>, vector<16xf32>,
      tpu.vector_store %arg6[%swap3A_914], %gather3A_906 {strides = array<i32>} : memref<16384xf32, #tpu.memory_space<vmem>>, vector<16xf32>,
      %add3A_916 = arith.constant 16 : i32
      %add3A_917 = arith.addi %mul3A_913, %add3A_916 : i32
      %swap3A_918 = arith.index_cast %add3A_917 : i32 to index
      %swap3A_919 = tpu.vector_load %arg6[%swap3A_918] {strides = array<i32>} : memref<16384xf32, #tpu.memory_space<vmem>>, vector<16xf32>,
      tpu.vector_store %arg6[%swap3A_918], %gather3A_907 {strides = array<i32>} : memref<16384xf32, #tpu.memory_space<vmem>>, vector<16xf32>,
      %dma_wait3A_920 = arith.constant 0 : i32
      %dma_wait3A_921 = arith.constant 0 : i32
      %dma_wait3A_922 = tpu.memref_slice %arg3[%dma_wait3A_920, %dma_wait3A_921] : memref<32x1000001xf32, #tpu.memory_space<hbm>> -> memref<32x128xf32, #tpu.memory_space<hbm>>
      %dma_wait3A_923 = arith.constant 0 : i32
      %dma_wait3A_924 = arith.constant 0 : i32
      %dma_wait3A_925 = tpu.memref_slice %arg3[%dma_wait3A_923, %dma_wait3A_924] : memref<32x1000001xf32, #tpu.memory_space<hbm>> -> memref<32x128xf32, #tpu.memory_space<hbm>>
      tpu.wait_dma2 semaphore(%arg23 : memref<!tpu.dma_semaphore, #tpu.memory_space<semaphore_mem>>) src(%dma_wait3A_925 : memref<32x128xf32, #tpu.memory_space<hbm>>) dst(%arg16 : memref<32x128xf32, #tpu.memory_space<vmem>>)
      %slice3A_926 = vector.extract_strided_slice %add3A_880 {offsets = [1], sizes = [1], strides = [1]} : vector<16xi32> to vector<1xi32>
      %squeeze3A_927 = vector.extract %slice3A_926[0] : i32 from vector<1xi32>
      %jit3A_928 = arith.constant 128 : i32
      %eq3A_929 = arith.constant 0 : i32
      %eq3A_930 = arith.cmpi eq, %jit3A_928, %eq3A_929 : i32
      %jit3A_931 = arith.constant 1 : i32
      %select_n3A_932 = arith.select %eq3A_930, %jit3A_931, %jit3A_928 : i32
      %rem3A_933 = arith.remsi %squeeze3A_927, %select_n3A_932 : i32
      %ne3A_934 = arith.constant 0 : i32
      %ne3A_935 = arith.cmpi ne, %rem3A_933, %ne3A_934 : i32
      %lt3A_936 = arith.constant 0 : i32
      %lt3A_937 = arith.cmpi slt, %rem3A_933, %lt3A_936 : i32
      %lt3A_938 = arith.constant 0 : i32
      %lt3A_939 = arith.cmpi slt, %select_n3A_932, %lt3A_938 : i32
      %ne3A_940 = arith.xori %lt3A_937, %lt3A_939 : i1
      %and3A_941 = arith.andi %ne3A_940, %ne3A_935 : i1
      %add3A_942 = arith.addi %rem3A_933, %select_n3A_932 : i32
      %select_n3A_943 = arith.select %and3A_941, %add3A_942, %rem3A_933 : i32
      %broadcast_in_dim3A_944 = vector.broadcast %select_n3A_943 : i32 to vector<16xi32>
      %gather3A_945 = tpu.vector_load_idx %arg16[%iota3A, %broadcast_in_dim3A_944] : memref<32x128xf32, #tpu.memory_space<vmem>>[vector<16xi32>, vector<16xi32>], vector<16xf32>,
      %gather3A_946 = tpu.vector_load_idx %arg16[%add3A_5, %broadcast_in_dim3A_944] : memref<32x128xf32, #tpu.memory_space<vmem>>[vector<16xi32>, vector<16xi32>], vector<16xf32>,
      %mul3A_947 = arith.constant 8 : i32
      %mul3A_948 = arith.muli %add3A_873, %mul3A_947 : i32
      %add3A_949 = arith.constant 1 : i32
      %add3A_950 = arith.addi %mul3A_948, %add3A_949 : i32
      %mul3A_951 = arith.constant 32 : i32
      %mul3A_952 = arith.muli %add3A_950, %mul3A_951 : i32
      %swap3A_953 = arith.index_cast %mul3A_952 : i32 to index
      %swap3A_954 = tpu.vector_load %arg6[%swap3A_953] {strides = array<i32>} : memref<16384xf32, #tpu.memory_space<vmem>>, vector<16xf32>,
      tpu.vector_store %arg6[%swap3A_953], %gather3A_945 {strides = array<i32>} : memref<16384xf32, #tpu.memory_space<vmem>>, vector<16xf32>,
      %add3A_955 = arith.constant 16 : i32
      %add3A_956 = arith.addi %mul3A_952, %add3A_955 : i32
      %swap3A_957 = arith.index_cast %add3A_956 : i32 to index
      %swap3A_958 = tpu.vector_load %arg6[%swap3A_957] {strides = array<i32>} : memref<16384xf32, #tpu.memory_space<vmem>>, vector<16xf32>,
      tpu.vector_store %arg6[%swap3A_957], %gather3A_946 {strides = array<i32>} : memref<16384xf32, #tpu.memory_space<vmem>>, vector<16xf32>,
      %dma_wait3A_959 = arith.constant 0 : i32
      %dma_wait3A_960 = arith.constant 0 : i32
      %dma_wait3A_961 = tpu.memref_slice %arg3[%dma_wait3A_959, %dma_wait3A_960] : memref<32x1000001xf32, #tpu.memory_space<hbm>> -> memref<32x128xf32, #tpu.memory_space<hbm>>
      %dma_wait3A_962 = arith.constant 0 : i32
      %dma_wait3A_963 = arith.constant 0 : i32
      %dma_wait3A_964 = tpu.memref_slice %arg3[%dma_wait3A_962, %dma_wait3A_963] : memref<32x1000001xf32, #tpu.memory_space<hbm>> -> memref<32x128xf32, #tpu.memory_space<hbm>>
      tpu.wait_dma2 semaphore(%arg23 : memref<!tpu.dma_semaphore, #tpu.memory_space<semaphore_mem>>) src(%dma_wait3A_964 : memref<32x128xf32, #tpu.memory_space<hbm>>) dst(%arg17 : memref<32x128xf32, #tpu.memory_space<vmem>>)
      %slice3A_965 = vector.extract_strided_slice %add3A_880 {offsets = [2], sizes = [1], strides = [1]} : vector<16xi32> to vector<1xi32>
      %squeeze3A_966 = vector.extract %slice3A_965[0] : i32 from vector<1xi32>
      %jit3A_967 = arith.constant 128 : i32
      %eq3A_968 = arith.constant 0 : i32
      %eq3A_969 = arith.cmpi eq, %jit3A_967, %eq3A_968 : i32
      %jit3A_970 = arith.constant 1 : i32
      %select_n3A_971 = arith.select %eq3A_969, %jit3A_970, %jit3A_967 : i32
      %rem3A_972 = arith.remsi %squeeze3A_966, %select_n3A_971 : i32
      %ne3A_973 = arith.constant 0 : i32
      %ne3A_974 = arith.cmpi ne, %rem3A_972, %ne3A_973 : i32
      %lt3A_975 = arith.constant 0 : i32
      %lt3A_976 = arith.cmpi slt, %rem3A_972, %lt3A_975 : i32
      %lt3A_977 = arith.constant 0 : i32
      %lt3A_978 = arith.cmpi slt, %select_n3A_971, %lt3A_977 : i32
      %ne3A_979 = arith.xori %lt3A_976, %lt3A_978 : i1
      %and3A_980 = arith.andi %ne3A_979, %ne3A_974 : i1
      %add3A_981 = arith.addi %rem3A_972, %select_n3A_971 : i32
      %select_n3A_982 = arith.select %and3A_980, %add3A_981, %rem3A_972 : i32
      %broadcast_in_dim3A_983 = vector.broadcast %select_n3A_982 : i32 to vector<16xi32>
      %gather3A_984 = tpu.vector_load_idx %arg17[%iota3A, %broadcast_in_dim3A_983] : memref<32x128xf32, #tpu.memory_space<vmem>>[vector<16xi32>, vector<16xi32>], vector<16xf32>,
      %gather3A_985 = tpu.vector_load_idx %arg17[%add3A_5, %broadcast_in_dim3A_983] : memref<32x128xf32, #tpu.memory_space<vmem>>[vector<16xi32>, vector<16xi32>], vector<16xf32>,
      %mul3A_986 = arith.constant 8 : i32
      %mul3A_987 = arith.muli %add3A_873, %mul3A_986 : i32
      %add3A_988 = arith.constant 2 : i32
      %add3A_989 = arith.addi %mul3A_987, %add3A_988 : i32
      %mul3A_990 = arith.constant 32 : i32
      %mul3A_991 = arith.muli %add3A_989, %mul3A_990 : i32
      %swap3A_992 = arith.index_cast %mul3A_991 : i32 to index
      %swap3A_993 = tpu.vector_load %arg6[%swap3A_992] {strides = array<i32>} : memref<16384xf32, #tpu.memory_space<vmem>>, vector<16xf32>,
      tpu.vector_store %arg6[%swap3A_992], %gather3A_984 {strides = array<i32>} : memref<16384xf32, #tpu.memory_space<vmem>>, vector<16xf32>,
      %add3A_994 = arith.constant 16 : i32
      %add3A_995 = arith.addi %mul3A_991, %add3A_994 : i32
      %swap3A_996 = arith.index_cast %add3A_995 : i32 to index
      %swap3A_997 = tpu.vector_load %arg6[%swap3A_996] {strides = array<i32>} : memref<16384xf32, #tpu.memory_space<vmem>>, vector<16xf32>,
      tpu.vector_store %arg6[%swap3A_996], %gather3A_985 {strides = array<i32>} : memref<16384xf32, #tpu.memory_space<vmem>>, vector<16xf32>,
      %dma_wait3A_998 = arith.constant 0 : i32
      %dma_wait3A_999 = arith.constant 0 : i32
      %dma_wait3A_1000 = tpu.memref_slice %arg3[%dma_wait3A_998, %dma_wait3A_999] : memref<32x1000001xf32, #tpu.memory_space<hbm>> -> memref<32x128xf32, #tpu.memory_space<hbm>>
      %dma_wait3A_1001 = arith.constant 0 : i32
      %dma_wait3A_1002 = arith.constant 0 : i32
      %dma_wait3A_1003 = tpu.memref_slice %arg3[%dma_wait3A_1001, %dma_wait3A_1002] : memref<32x1000001xf32, #tpu.memory_space<hbm>> -> memref<32x128xf32, #tpu.memory_space<hbm>>
      tpu.wait_dma2 semaphore(%arg23 : memref<!tpu.dma_semaphore, #tpu.memory_space<semaphore_mem>>) src(%dma_wait3A_1003 : memref<32x128xf32, #tpu.memory_space<hbm>>) dst(%arg18 : memref<32x128xf32, #tpu.memory_space<vmem>>)
      %slice3A_1004 = vector.extract_strided_slice %add3A_880 {offsets = [3], sizes = [1], strides = [1]} : vector<16xi32> to vector<1xi32>
      %squeeze3A_1005 = vector.extract %slice3A_1004[0] : i32 from vector<1xi32>
      %jit3A_1006 = arith.constant 128 : i32
      %eq3A_1007 = arith.constant 0 : i32
      %eq3A_1008 = arith.cmpi eq, %jit3A_1006, %eq3A_1007 : i32
      %jit3A_1009 = arith.constant 1 : i32
      %select_n3A_1010 = arith.select %eq3A_1008, %jit3A_1009, %jit3A_1006 : i32
      %rem3A_1011 = arith.remsi %squeeze3A_1005, %select_n3A_1010 : i32
      %ne3A_1012 = arith.constant 0 : i32
      %ne3A_1013 = arith.cmpi ne, %rem3A_1011, %ne3A_1012 : i32
      %lt3A_1014 = arith.constant 0 : i32
      %lt3A_1015 = arith.cmpi slt, %rem3A_1011, %lt3A_1014 : i32
      %lt3A_1016 = arith.constant 0 : i32
      %lt3A_1017 = arith.cmpi slt, %select_n3A_1010, %lt3A_1016 : i32
      %ne3A_1018 = arith.xori %lt3A_1015, %lt3A_1017 : i1
      %and3A_1019 = arith.andi %ne3A_1018, %ne3A_1013 : i1
      %add3A_1020 = arith.addi %rem3A_1011, %select_n3A_1010 : i32
      %select_n3A_1021 = arith.select %and3A_1019, %add3A_1020, %rem3A_1011 : i32
      %broadcast_in_dim3A_1022 = vector.broadcast %select_n3A_1021 : i32 to vector<16xi32>
      %gather3A_1023 = tpu.vector_load_idx %arg18[%iota3A, %broadcast_in_dim3A_1022] : memref<32x128xf32, #tpu.memory_space<vmem>>[vector<16xi32>, vector<16xi32>], vector<16xf32>,
      %gather3A_1024 = tpu.vector_load_idx %arg18[%add3A_5, %broadcast_in_dim3A_1022] : memref<32x128xf32, #tpu.memory_space<vmem>>[vector<16xi32>, vector<16xi32>], vector<16xf32>,
      %mul3A_1025 = arith.constant 8 : i32
      %mul3A_1026 = arith.muli %add3A_873, %mul3A_1025 : i32
      %add3A_1027 = arith.constant 3 : i32
      %add3A_1028 = arith.addi %mul3A_1026, %add3A_1027 : i32
      %mul3A_1029 = arith.constant 32 : i32
      %mul3A_1030 = arith.muli %add3A_1028, %mul3A_1029 : i32
      %swap3A_1031 = arith.index_cast %mul3A_1030 : i32 to index
      %swap3A_1032 = tpu.vector_load %arg6[%swap3A_1031] {strides = array<i32>} : memref<16384xf32, #tpu.memory_space<vmem>>, vector<16xf32>,
      tpu.vector_store %arg6[%swap3A_1031], %gather3A_1023 {strides = array<i32>} : memref<16384xf32, #tpu.memory_space<vmem>>, vector<16xf32>,
      %add3A_1033 = arith.constant 16 : i32
      %add3A_1034 = arith.addi %mul3A_1030, %add3A_1033 : i32
      %swap3A_1035 = arith.index_cast %add3A_1034 : i32 to index
      %swap3A_1036 = tpu.vector_load %arg6[%swap3A_1035] {strides = array<i32>} : memref<16384xf32, #tpu.memory_space<vmem>>, vector<16xf32>,
      tpu.vector_store %arg6[%swap3A_1035], %gather3A_1024 {strides = array<i32>} : memref<16384xf32, #tpu.memory_space<vmem>>, vector<16xf32>,
      %dma_wait3A_1037 = arith.constant 0 : i32
      %dma_wait3A_1038 = arith.constant 0 : i32
      %dma_wait3A_1039 = tpu.memref_slice %arg3[%dma_wait3A_1037, %dma_wait3A_1038] : memref<32x1000001xf32, #tpu.memory_space<hbm>> -> memref<32x128xf32, #tpu.memory_space<hbm>>
      %dma_wait3A_1040 = arith.constant 0 : i32
      %dma_wait3A_1041 = arith.constant 0 : i32
      %dma_wait3A_1042 = tpu.memref_slice %arg3[%dma_wait3A_1040, %dma_wait3A_1041] : memref<32x1000001xf32, #tpu.memory_space<hbm>> -> memref<32x128xf32, #tpu.memory_space<hbm>>
      tpu.wait_dma2 semaphore(%arg23 : memref<!tpu.dma_semaphore, #tpu.memory_space<semaphore_mem>>) src(%dma_wait3A_1042 : memref<32x128xf32, #tpu.memory_space<hbm>>) dst(%arg19 : memref<32x128xf32, #tpu.memory_space<vmem>>)
      %slice3A_1043 = vector.extract_strided_slice %add3A_880 {offsets = [4], sizes = [1], strides = [1]} : vector<16xi32> to vector<1xi32>
      %squeeze3A_1044 = vector.extract %slice3A_1043[0] : i32 from vector<1xi32>
      %jit3A_1045 = arith.constant 128 : i32
      %eq3A_1046 = arith.constant 0 : i32
      %eq3A_1047 = arith.cmpi eq, %jit3A_1045, %eq3A_1046 : i32
      %jit3A_1048 = arith.constant 1 : i32
      %select_n3A_1049 = arith.select %eq3A_1047, %jit3A_1048, %jit3A_1045 : i32
      %rem3A_1050 = arith.remsi %squeeze3A_1044, %select_n3A_1049 : i32
      %ne3A_1051 = arith.constant 0 : i32
      %ne3A_1052 = arith.cmpi ne, %rem3A_1050, %ne3A_1051 : i32
      %lt3A_1053 = arith.constant 0 : i32
      %lt3A_1054 = arith.cmpi slt, %rem3A_1050, %lt3A_1053 : i32
      %lt3A_1055 = arith.constant 0 : i32
      %lt3A_1056 = arith.cmpi slt, %select_n3A_1049, %lt3A_1055 : i32
      %ne3A_1057 = arith.xori %lt3A_1054, %lt3A_1056 : i1
      %and3A_1058 = arith.andi %ne3A_1057, %ne3A_1052 : i1
      %add3A_1059 = arith.addi %rem3A_1050, %select_n3A_1049 : i32
      %select_n3A_1060 = arith.select %and3A_1058, %add3A_1059, %rem3A_1050 : i32
      %broadcast_in_dim3A_1061 = vector.broadcast %select_n3A_1060 : i32 to vector<16xi32>
      %gather3A_1062 = tpu.vector_load_idx %arg19[%iota3A, %broadcast_in_dim3A_1061] : memref<32x128xf32, #tpu.memory_space<vmem>>[vector<16xi32>, vector<16xi32>], vector<16xf32>,
      %gather3A_1063 = tpu.vector_load_idx %arg19[%add3A_5, %broadcast_in_dim3A_1061] : memref<32x128xf32, #tpu.memory_space<vmem>>[vector<16xi32>, vector<16xi32>], vector<16xf32>,
      %mul3A_1064 = arith.constant 8 : i32
      %mul3A_1065 = arith.muli %add3A_873, %mul3A_1064 : i32
      %add3A_1066 = arith.constant 4 : i32
      %add3A_1067 = arith.addi %mul3A_1065, %add3A_1066 : i32
      %mul3A_1068 = arith.constant 32 : i32
      %mul3A_1069 = arith.muli %add3A_1067, %mul3A_1068 : i32
      %swap3A_1070 = arith.index_cast %mul3A_1069 : i32 to index
      %swap3A_1071 = tpu.vector_load %arg6[%swap3A_1070] {strides = array<i32>} : memref<16384xf32, #tpu.memory_space<vmem>>, vector<16xf32>,
      tpu.vector_store %arg6[%swap3A_1070], %gather3A_1062 {strides = array<i32>} : memref<16384xf32, #tpu.memory_space<vmem>>, vector<16xf32>,
      %add3A_1072 = arith.constant 16 : i32
      %add3A_1073 = arith.addi %mul3A_1069, %add3A_1072 : i32
      %swap3A_1074 = arith.index_cast %add3A_1073 : i32 to index
      %swap3A_1075 = tpu.vector_load %arg6[%swap3A_1074] {strides = array<i32>} : memref<16384xf32, #tpu.memory_space<vmem>>, vector<16xf32>,
      tpu.vector_store %arg6[%swap3A_1074], %gather3A_1063 {strides = array<i32>} : memref<16384xf32, #tpu.memory_space<vmem>>, vector<16xf32>,
      %dma_wait3A_1076 = arith.constant 0 : i32
      %dma_wait3A_1077 = arith.constant 0 : i32
      %dma_wait3A_1078 = tpu.memref_slice %arg3[%dma_wait3A_1076, %dma_wait3A_1077] : memref<32x1000001xf32, #tpu.memory_space<hbm>> -> memref<32x128xf32, #tpu.memory_space<hbm>>
      %dma_wait3A_1079 = arith.constant 0 : i32
      %dma_wait3A_1080 = arith.constant 0 : i32
      %dma_wait3A_1081 = tpu.memref_slice %arg3[%dma_wait3A_1079, %dma_wait3A_1080] : memref<32x1000001xf32, #tpu.memory_space<hbm>> -> memref<32x128xf32, #tpu.memory_space<hbm>>
      tpu.wait_dma2 semaphore(%arg23 : memref<!tpu.dma_semaphore, #tpu.memory_space<semaphore_mem>>) src(%dma_wait3A_1081 : memref<32x128xf32, #tpu.memory_space<hbm>>) dst(%arg20 : memref<32x128xf32, #tpu.memory_space<vmem>>)
      %slice3A_1082 = vector.extract_strided_slice %add3A_880 {offsets = [5], sizes = [1], strides = [1]} : vector<16xi32> to vector<1xi32>
      %squeeze3A_1083 = vector.extract %slice3A_1082[0] : i32 from vector<1xi32>
      %jit3A_1084 = arith.constant 128 : i32
      %eq3A_1085 = arith.constant 0 : i32
      %eq3A_1086 = arith.cmpi eq, %jit3A_1084, %eq3A_1085 : i32
      %jit3A_1087 = arith.constant 1 : i32
      %select_n3A_1088 = arith.select %eq3A_1086, %jit3A_1087, %jit3A_1084 : i32
      %rem3A_1089 = arith.remsi %squeeze3A_1083, %select_n3A_1088 : i32
      %ne3A_1090 = arith.constant 0 : i32
      %ne3A_1091 = arith.cmpi ne, %rem3A_1089, %ne3A_1090 : i32
      %lt3A_1092 = arith.constant 0 : i32
      %lt3A_1093 = arith.cmpi slt, %rem3A_1089, %lt3A_1092 : i32
      %lt3A_1094 = arith.constant 0 : i32
      %lt3A_1095 = arith.cmpi slt, %select_n3A_1088, %lt3A_1094 : i32
      %ne3A_1096 = arith.xori %lt3A_1093, %lt3A_1095 : i1
      %and3A_1097 = arith.andi %ne3A_1096, %ne3A_1091 : i1
      %add3A_1098 = arith.addi %rem3A_1089, %select_n3A_1088 : i32
      %select_n3A_1099 = arith.select %and3A_1097, %add3A_1098, %rem3A_1089 : i32
      %broadcast_in_dim3A_1100 = vector.broadcast %select_n3A_1099 : i32 to vector<16xi32>
      %gather3A_1101 = tpu.vector_load_idx %arg20[%iota3A, %broadcast_in_dim3A_1100] : memref<32x128xf32, #tpu.memory_space<vmem>>[vector<16xi32>, vector<16xi32>], vector<16xf32>,
      %gather3A_1102 = tpu.vector_load_idx %arg20[%add3A_5, %broadcast_in_dim3A_1100] : memref<32x128xf32, #tpu.memory_space<vmem>>[vector<16xi32>, vector<16xi32>], vector<16xf32>,
      %mul3A_1103 = arith.constant 8 : i32
      %mul3A_1104 = arith.muli %add3A_873, %mul3A_1103 : i32
      %add3A_1105 = arith.constant 5 : i32
      %add3A_1106 = arith.addi %mul3A_1104, %add3A_1105 : i32
      %mul3A_1107 = arith.constant 32 : i32
      %mul3A_1108 = arith.muli %add3A_1106, %mul3A_1107 : i32
      %swap3A_1109 = arith.index_cast %mul3A_1108 : i32 to index
      %swap3A_1110 = tpu.vector_load %arg6[%swap3A_1109] {strides = array<i32>} : memref<16384xf32, #tpu.memory_space<vmem>>, vector<16xf32>,
      tpu.vector_store %arg6[%swap3A_1109], %gather3A_1101 {strides = array<i32>} : memref<16384xf32, #tpu.memory_space<vmem>>, vector<16xf32>,
      %add3A_1111 = arith.constant 16 : i32
      %add3A_1112 = arith.addi %mul3A_1108, %add3A_1111 : i32
      %swap3A_1113 = arith.index_cast %add3A_1112 : i32 to index
      %swap3A_1114 = tpu.vector_load %arg6[%swap3A_1113] {strides = array<i32>} : memref<16384xf32, #tpu.memory_space<vmem>>, vector<16xf32>,
      tpu.vector_store %arg6[%swap3A_1113], %gather3A_1102 {strides = array<i32>} : memref<16384xf32, #tpu.memory_space<vmem>>, vector<16xf32>,
      %dma_wait3A_1115 = arith.constant 0 : i32
      %dma_wait3A_1116 = arith.constant 0 : i32
      %dma_wait3A_1117 = tpu.memref_slice %arg3[%dma_wait3A_1115, %dma_wait3A_1116] : memref<32x1000001xf32, #tpu.memory_space<hbm>> -> memref<32x128xf32, #tpu.memory_space<hbm>>
      %dma_wait3A_1118 = arith.constant 0 : i32
      %dma_wait3A_1119 = arith.constant 0 : i32
      %dma_wait3A_1120 = tpu.memref_slice %arg3[%dma_wait3A_1118, %dma_wait3A_1119] : memref<32x1000001xf32, #tpu.memory_space<hbm>> -> memref<32x128xf32, #tpu.memory_space<hbm>>
      tpu.wait_dma2 semaphore(%arg23 : memref<!tpu.dma_semaphore, #tpu.memory_space<semaphore_mem>>) src(%dma_wait3A_1120 : memref<32x128xf32, #tpu.memory_space<hbm>>) dst(%arg21 : memref<32x128xf32, #tpu.memory_space<vmem>>)
      %slice3A_1121 = vector.extract_strided_slice %add3A_880 {offsets = [6], sizes = [1], strides = [1]} : vector<16xi32> to vector<1xi32>
      %squeeze3A_1122 = vector.extract %slice3A_1121[0] : i32 from vector<1xi32>
      %jit3A_1123 = arith.constant 128 : i32
      %eq3A_1124 = arith.constant 0 : i32
      %eq3A_1125 = arith.cmpi eq, %jit3A_1123, %eq3A_1124 : i32
      %jit3A_1126 = arith.constant 1 : i32
      %select_n3A_1127 = arith.select %eq3A_1125, %jit3A_1126, %jit3A_1123 : i32
      %rem3A_1128 = arith.remsi %squeeze3A_1122, %select_n3A_1127 : i32
      %ne3A_1129 = arith.constant 0 : i32
      %ne3A_1130 = arith.cmpi ne, %rem3A_1128, %ne3A_1129 : i32
      %lt3A_1131 = arith.constant 0 : i32
      %lt3A_1132 = arith.cmpi slt, %rem3A_1128, %lt3A_1131 : i32
      %lt3A_1133 = arith.constant 0 : i32
      %lt3A_1134 = arith.cmpi slt, %select_n3A_1127, %lt3A_1133 : i32
      %ne3A_1135 = arith.xori %lt3A_1132, %lt3A_1134 : i1
      %and3A_1136 = arith.andi %ne3A_1135, %ne3A_1130 : i1
      %add3A_1137 = arith.addi %rem3A_1128, %select_n3A_1127 : i32
      %select_n3A_1138 = arith.select %and3A_1136, %add3A_1137, %rem3A_1128 : i32
      %broadcast_in_dim3A_1139 = vector.broadcast %select_n3A_1138 : i32 to vector<16xi32>
      %gather3A_1140 = tpu.vector_load_idx %arg21[%iota3A, %broadcast_in_dim3A_1139] : memref<32x128xf32, #tpu.memory_space<vmem>>[vector<16xi32>, vector<16xi32>], vector<16xf32>,
      %gather3A_1141 = tpu.vector_load_idx %arg21[%add3A_5, %broadcast_in_dim3A_1139] : memref<32x128xf32, #tpu.memory_space<vmem>>[vector<16xi32>, vector<16xi32>], vector<16xf32>,
      %mul3A_1142 = arith.constant 8 : i32
      %mul3A_1143 = arith.muli %add3A_873, %mul3A_1142 : i32
      %add3A_1144 = arith.constant 6 : i32
      %add3A_1145 = arith.addi %mul3A_1143, %add3A_1144 : i32
      %mul3A_1146 = arith.constant 32 : i32
      %mul3A_1147 = arith.muli %add3A_1145, %mul3A_1146 : i32
      %swap3A_1148 = arith.index_cast %mul3A_1147 : i32 to index
      %swap3A_1149 = tpu.vector_load %arg6[%swap3A_1148] {strides = array<i32>} : memref<16384xf32, #tpu.memory_space<vmem>>, vector<16xf32>,
      tpu.vector_store %arg6[%swap3A_1148], %gather3A_1140 {strides = array<i32>} : memref<16384xf32, #tpu.memory_space<vmem>>, vector<16xf32>,
      %add3A_1150 = arith.constant 16 : i32
      %add3A_1151 = arith.addi %mul3A_1147, %add3A_1150 : i32
      %swap3A_1152 = arith.index_cast %add3A_1151 : i32 to index
      %swap3A_1153 = tpu.vector_load %arg6[%swap3A_1152] {strides = array<i32>} : memref<16384xf32, #tpu.memory_space<vmem>>, vector<16xf32>,
      tpu.vector_store %arg6[%swap3A_1152], %gather3A_1141 {strides = array<i32>} : memref<16384xf32, #tpu.memory_space<vmem>>, vector<16xf32>,
      %dma_wait3A_1154 = arith.constant 0 : i32
      %dma_wait3A_1155 = arith.constant 0 : i32
      %dma_wait3A_1156 = tpu.memref_slice %arg3[%dma_wait3A_1154, %dma_wait3A_1155] : memref<32x1000001xf32, #tpu.memory_space<hbm>> -> memref<32x128xf32, #tpu.memory_space<hbm>>
      %dma_wait3A_1157 = arith.constant 0 : i32
      %dma_wait3A_1158 = arith.constant 0 : i32
      %dma_wait3A_1159 = tpu.memref_slice %arg3[%dma_wait3A_1157, %dma_wait3A_1158] : memref<32x1000001xf32, #tpu.memory_space<hbm>> -> memref<32x128xf32, #tpu.memory_space<hbm>>
      tpu.wait_dma2 semaphore(%arg23 : memref<!tpu.dma_semaphore, #tpu.memory_space<semaphore_mem>>) src(%dma_wait3A_1159 : memref<32x128xf32, #tpu.memory_space<hbm>>) dst(%arg22 : memref<32x128xf32, #tpu.memory_space<vmem>>)
      %slice3A_1160 = vector.extract_strided_slice %add3A_880 {offsets = [7], sizes = [1], strides = [1]} : vector<16xi32> to vector<1xi32>
      %squeeze3A_1161 = vector.extract %slice3A_1160[0] : i32 from vector<1xi32>
      %jit3A_1162 = arith.constant 128 : i32
      %eq3A_1163 = arith.constant 0 : i32
      %eq3A_1164 = arith.cmpi eq, %jit3A_1162, %eq3A_1163 : i32
      %jit3A_1165 = arith.constant 1 : i32
      %select_n3A_1166 = arith.select %eq3A_1164, %jit3A_1165, %jit3A_1162 : i32
      %rem3A_1167 = arith.remsi %squeeze3A_1161, %select_n3A_1166 : i32
      %ne3A_1168 = arith.constant 0 : i32
      %ne3A_1169 = arith.cmpi ne, %rem3A_1167, %ne3A_1168 : i32
      %lt3A_1170 = arith.constant 0 : i32
      %lt3A_1171 = arith.cmpi slt, %rem3A_1167, %lt3A_1170 : i32
      %lt3A_1172 = arith.constant 0 : i32
      %lt3A_1173 = arith.cmpi slt, %select_n3A_1166, %lt3A_1172 : i32
      %ne3A_1174 = arith.xori %lt3A_1171, %lt3A_1173 : i1
      %and3A_1175 = arith.andi %ne3A_1174, %ne3A_1169 : i1
      %add3A_1176 = arith.addi %rem3A_1167, %select_n3A_1166 : i32
      %select_n3A_1177 = arith.select %and3A_1175, %add3A_1176, %rem3A_1167 : i32
      %broadcast_in_dim3A_1178 = vector.broadcast %select_n3A_1177 : i32 to vector<16xi32>
      %gather3A_1179 = tpu.vector_load_idx %arg22[%iota3A, %broadcast_in_dim3A_1178] : memref<32x128xf32, #tpu.memory_space<vmem>>[vector<16xi32>, vector<16xi32>], vector<16xf32>,
      %gather3A_1180 = tpu.vector_load_idx %arg22[%add3A_5, %broadcast_in_dim3A_1178] : memref<32x128xf32, #tpu.memory_space<vmem>>[vector<16xi32>, vector<16xi32>], vector<16xf32>,
      %mul3A_1181 = arith.constant 8 : i32
      %mul3A_1182 = arith.muli %add3A_873, %mul3A_1181 : i32
      %add3A_1183 = arith.constant 7 : i32
      %add3A_1184 = arith.addi %mul3A_1182, %add3A_1183 : i32
      %mul3A_1185 = arith.constant 32 : i32
      %mul3A_1186 = arith.muli %add3A_1184, %mul3A_1185 : i32
      %swap3A_1187 = arith.index_cast %mul3A_1186 : i32 to index
      %swap3A_1188 = tpu.vector_load %arg6[%swap3A_1187] {strides = array<i32>} : memref<16384xf32, #tpu.memory_space<vmem>>, vector<16xf32>,
      tpu.vector_store %arg6[%swap3A_1187], %gather3A_1179 {strides = array<i32>} : memref<16384xf32, #tpu.memory_space<vmem>>, vector<16xf32>,
      %add3A_1189 = arith.constant 16 : i32
      %add3A_1190 = arith.addi %mul3A_1186, %add3A_1189 : i32
      %swap3A_1191 = arith.index_cast %add3A_1190 : i32 to index
      %swap3A_1192 = tpu.vector_load %arg6[%swap3A_1191] {strides = array<i32>} : memref<16384xf32, #tpu.memory_space<vmem>>, vector<16xf32>,
      tpu.vector_store %arg6[%swap3A_1191], %gather3A_1180 {strides = array<i32>} : memref<16384xf32, #tpu.memory_space<vmem>>, vector<16xf32>,
    }
    %scan3A_265 = arith.constant 32 : i32
    %mul3A_266 = arith.constant 32 : i32
    %mul3A_267 = arith.muli %mul3A_2, %mul3A_266 : i32
    "tpu.region"() ({
      %run_scoped3A = tpu.sem_alloc : memref<!tpu.dma_semaphore, #tpu.memory_space<semaphore_mem>>
      %dma_start3A_268 = tpu.memref_slice %arg4[%mul3A_267] : memref<524288xf32, #tpu.memory_space<hbm>> -> memref<16384xf32, #tpu.memory_space<hbm>>
      %dma_start3A_269 = tpu.memref_slice %arg4[%mul3A_267] : memref<524288xf32, #tpu.memory_space<hbm>> -> memref<16384xf32, #tpu.memory_space<hbm>>
      tpu.enqueue_dma source(%arg6 : memref<16384xf32, #tpu.memory_space<vmem>>) target(%dma_start3A_269 : memref<16384xf32, #tpu.memory_space<hbm>>) target_semaphore(%run_scoped3A : memref<!tpu.dma_semaphore, #tpu.memory_space<semaphore_mem>>)
      %dma_wait3A = tpu.memref_slice %arg4[%mul3A_267] : memref<524288xf32, #tpu.memory_space<hbm>> -> memref<16384xf32, #tpu.memory_space<hbm>>
      %dma_wait3A_270 = tpu.memref_slice %arg4[%mul3A_267] : memref<524288xf32, #tpu.memory_space<hbm>> -> memref<16384xf32, #tpu.memory_space<hbm>>
      tpu.wait_dma2 semaphore(%run_scoped3A : memref<!tpu.dma_semaphore, #tpu.memory_space<semaphore_mem>>) src(%arg6 : memref<16384xf32, #tpu.memory_space<vmem>>) dst(%dma_wait3A_270 : memref<16384xf32, #tpu.memory_space<hbm>>)
      tpu.yield
    }) : () -> ()
    return
  }
}

</mosaic_0001>

<sc_bundles>
// kernel: kernel.3.cloned.1.call-start
scs
__scs_entry_jumppad:
0x0: {  	(pc) =	sbr.rel $0x88, $3  }
0x1: {  	(tag) =	ssettag $0x0;
	lr =	simm.s32 $0x1  }
0x2: {  	[smem:$0x3F9F] =	sst lr;
	_ =	strace $0xD0000000  }
0x3: {  	_ = 	snop  }
0x4: {  	_ = 	snop  }
0x5: {  	_ = 	snop  }
0x6: {  	_ = 	snop  }
0x7: {  	_ = 	snop  }
__scs_overlays_trampoline_lowered:
0x8: {  	[smem:$0x3FAE] =	sst s0  }
0x9: {  	[smem:$0x3FAF] =	sst s1  }
0xa: {  	[smem:$0x3FB0] =	sst s2  }
0xb: {  	[smem:$0x3FB1] =	sst s3  }
0xc: {  	[smem:$0x3FB2] =	sst s4  }
0xd: {  	[smem:$0x3FB3] =	sst s5  }
0xe: {  	[smem:$0x3FB4] =	sst s6  }
0xf: {  	[smem:$0x3FB5] =	sst s7  }
0x10: {  	[smem:$0x3FB6] =	sst s8  }
0x11: {  	[smem:$0x3FB7] =	sst s9;
	s0 =	simm.s32 @!p0 $0x0  }
0x12: {  	s1 =	sld [smem:$0x3F9D];
	s0 =	simm.s32 @p0 $0x1  }
0x13: {  	[smem:$0x3FB8] =	sst s0;
	s0 =	simm.s32 @!p1 $0x0  }
0x14: {  	s2 =	sld [smem:$0x3F9C];
	s0 =	simm.s32 @p1 $0x1  }
0x15: {  	[smem:$0x3FB9] =	sst s0;
	s0 =	simm.s32 @!p2 $0x0  }
0x16: {  	s3 =	sld [smem:$0x3FDB];
	s0 =	simm.s32 @p2 $0x1  }
0x17: {  	s4 =	simm.s32 $0x1BF5;
	[smem:$0x3FBB] =	sst s0  }
0x18: {  	s0 =	sld [smem:$0x3F9E];
	_ =	swait.ge [sflag:s4], $0x0  }
0x19: {  	s7 =	sld [smem:$0x3F9F]  }
0x1a: {  	s8 =	sadd.s32 $0xFFFFE003, lr  }
0x1b: {  	s9 =	sadd.s32 $0xFFFFFEF7, lr;
	s5 =	simm.s32 $0xFFFFFFFF;
	p2 =	slt.u32 s8, $0xFFFFF086  }
0x1c: {  	p1 =	slt.u32 s9, $0xF7A;
	s5 =	simm.s32 @!p2 $0x0  }
0x1d: {  	s5 =	simm.s32 @p1 $0x1;
	p0 =	seq.s32 s7, s2  }
0x1e: {  	s7 =	smul.u32 @!p0 $0xF7A, s2;
	p2 =	seq.s32 @!p0 s5, $0x0  }
0x1f: {  	s9 =	smul.u32 $0xF7A, s1;
	s8 =	simm.s32 @!p0 $0x1BF5;
	p2 =	por !p2, p0  }
0x20: {  	[sflag:s8] =	ssyncset.s32 @!p0 $0xFFFFF086;
	s6 =	sadd.s32 @!p0 s3, s7;
	s7 =	simm.s32 @!p0 $0x108  }
0x21: {  	s3 =	sadd.s32 s3, s9;
	s6 =	sadd.s32 @!p0 $0x88, s6;
	s7 =	simm.s32 @p2 $0x1082  }
0x22: {  	[simem:s7], [sflag:s8] =	dma.local @!p0 [hbm:s6], $0xF7A  }
0x23: {  	s9 =	sor.u32 $0xD0000000, s2;
	s6 =	simm.s32 $0x108;
	_ =	swait.ge @!p0 [sflag:s8], $0x0  }
0x24: {  	s3 =	sadd.s32 $0x88, s3;
	s6 =	simm.s32 @!p1 $0x1082;
	[sflag:s4] =	ssyncset.s32 $0xFFFFF086  }
0x25: {  	[simem:s6], [sflag:s4] =	dma.local [hbm:s3], $0xF7A  }
0x26: {  	[smem:$0x3F9F] =	sst s1;
	(tag) =	ssettag s2;
	_ =	strace s9  }
0x27: {  	s1 =	sld [smem:$0x3FAF]  }
0x28: {  	s2 =	sld [smem:$0x3FB0]  }
0x29: {  	s4 =	sld [smem:$0x3FB2]  }
0x2a: {  	p0 =	seq.s32 s5, $0x0;
	s5 =	sld [smem:$0x3FB3]  }
0x2b: {  	s6 =	sld [smem:$0x3FB4]  }
0x2c: {  	s7 =	sld [smem:$0x3FB5]  }
0x2d: {  	s3 =	simm.s32 $0x108;
	s8 =	sld [smem:$0x3FB6]  }
0x2e: {  	s3 =	simm.s32 @!p0 $0x1082;
	s9 =	sld [smem:$0x3FB7]  }
0x2f: {  	lr =	sadd.s32 s0, s3;
	s0 =	sld [smem:$0x3FAE]  }
0x30: {  	s3 =	sld [smem:$0x3FB1]  }
0x31: {  	[smem:$0x3FBA] =	sst s10  }
0x32: {  	s10 =	sld [smem:$0x3FB8];
	_ =	sdelay $0x3  }
0x33: {  	p0 =	seq.s32 s10, $0x1;
	s10 =	sld [smem:$0x3FBA];
	_ =	sdelay $0x3  }
0x34: {  	[smem:$0x3FBA] =	sst s10  }
0x35: {  	s10 =	sld [smem:$0x3FB9];
	_ =	sdelay $0x3  }
0x36: {  	p1 =	seq.s32 s10, $0x1;
	s10 =	sld [smem:$0x3FBA];
	_ =	sdelay $0x3  }
0x37: {  	[smem:$0x3FBA] =	sst s10  }
0x38: {  	s10 =	sld [smem:$0x3FBB]  }
0x39: {  	_ = 	snop;
	(pc) =	sbr.ind lr, $3  }
0x3a: {  	_ = 	snop  }
0x3b: {  	_ = 	snop  }
0x3c: {  	p2 =	seq.s32 s10, $0x1;
	s10 =	sld [smem:$0x3FBA]  }
0x3d: {  	_ =	shalt  }
0x3e: {  	_ =	shalt  }
0x3f: {  	_ =	shalt  }
0x40: {  	_ =	shalt  }
0x41: {  	_ =	shalt  }
0x42: {  	_ =	shalt  }
0x43: {  	_ =	shalt  }
0x44: {  	_ =	shalt  }
0x45: {  	_ =	shalt  }
0x46: {  	_ =	shalt  }
0x47: {  	_ =	shalt  }
0x48: {  	_ =	shalt  }
0x49: {  	_ =	shalt  }
0x4a: {  	_ =	shalt  }
0x4b: {  	_ =	shalt  }
0x4c: {  	_ =	shalt  }
0x4d: {  	_ =	shalt  }
0x4e: {  	_ =	shalt  }
0x4f: {  	_ =	shalt  }
0x50: {  	_ =	shalt  }
0x51: {  	_ =	shalt  }
0x52: {  	_ =	shalt  }
0x53: {  	_ =	shalt  }
0x54: {  	_ =	shalt  }
0x55: {  	_ =	shalt  }
0x56: {  	_ =	shalt  }
0x57: {  	_ =	shalt  }
0x58: {  	_ =	shalt  }
0x59: {  	_ =	shalt  }
0x5a: {  	_ =	shalt  }
0x5b: {  	_ =	shalt  }
0x5c: {  	_ =	shalt  }
0x5d: {  	_ =	shalt  }
0x5e: {  	_ =	shalt  }
0x5f: {  	_ =	shalt  }
0x60: {  	_ =	shalt  }
0x61: {  	_ =	shalt  }
0x62: {  	_ =	shalt  }
0x63: {  	_ =	shalt  }
0x64: {  	_ =	shalt  }
0x65: {  	_ =	shalt  }
0x66: {  	_ =	shalt  }
0x67: {  	_ =	shalt  }
0x68: {  	_ =	shalt  }
0x69: {  	_ =	shalt  }
0x6a: {  	_ =	shalt  }
0x6b: {  	_ =	shalt  }
0x6c: {  	_ =	shalt  }
0x6d: {  	_ =	shalt  }
0x6e: {  	_ =	shalt  }
0x6f: {  	_ =	shalt  }
0x70: {  	_ =	shalt  }
0x71: {  	_ =	shalt  }
0x72: {  	_ =	shalt  }
0x73: {  	_ =	shalt  }
0x74: {  	_ =	shalt  }
0x75: {  	_ =	shalt  }
0x76: {  	_ =	shalt  }
0x77: {  	_ =	shalt  }
0x78: {  	_ =	shalt  }
0x79: {  	_ =	shalt  }
0x7a: {  	_ =	shalt  }
0x7b: {  	_ =	shalt  }
0x7c: {  	_ =	shalt  }
0x7d: {  	_ =	shalt  }
0x7e: {  	_ =	shalt  }
0x7f: {  	_ =	shalt  }
0x80: {  	_ =	shalt  }
0x81: {  	_ =	shalt  }
0x82: {  	_ =	shalt  }
0x83: {  	_ =	shalt  }
0x84: {  	_ =	shalt  }
0x85: {  	_ =	shalt  }
0x86: {  	_ =	shalt  }
0x87: {  	_ =	shalt  }
.Lfunc_end0:
.L_simem_size_0:
called_computation_lowered:
.L_overlay_start_0:
0x88: {  	s2 =	sld [smem:$0x3FD9]  }
0x89: {  	s3 =	sld [smem:$0x3FFE];
	_ =	sdelay $0x1  }
0x8a: {  	s1 =	srdreg.scid  }
0x8b: {  	s0 =	sand.u32 $0x1, s1  }
0x8c: {  	s18 =	sshll.u32 s0, $0xA;
	s2 =	sadd.s32 s3, s2  }
0x8d: {  	s2 =	sadd.s32 s2, s18  }
0x8e: {  	[smem:$0x3FC6] =	sst s2  }
0x8f: {  	_ = 	snop  }
0x90: {  	s2 =	sld [smem:$0x3FC9]  }
0x91: {  	s19 =	sld [smem:$0x3FC8]  }
0x92: {  	s4 =	sld [smem:$0x3FD0];
	(tm) =	ssettm $0x1  }
0x93: {  	s5 =	sld [smem:$0x3FFB];
	_ =	sdelay $0x3  }
0x94: {  	_ =	strace s5  }
0x95: {  	s5 =	sld [smem:$0x3FFC];
	_ =	sdelay $0x3  }
0x96: {  	_ =	strace s5  }
0x97: {  	s5 =	sld [smem:$0x3FFD];
	_ =	sdelay $0x3  }
0x98: {  	_ =	strace s5  }
0x99: {  	_ =	strace $0x8FFFFFFF  }
0x9a: {  	s20 =	sld [smem:$0x3FDB];
	_ =	sdelay $0x1  }
0x9b: {  	s6 =	simm.s32 $_scs_section_size  }
0x9c: {  	s7 =	simm.s32 $_size__tile_overlayer_lowered;
	s8 =	simm.s32 $_tile_overlayer_lowered  }
0x9d: {  	s23 =	simm.s32 $0x1BFF;
	s22 =	sshll.u32 s8, $0x1;
	s5 =	sadd.s32 s6, s20  }
0x9e: {  	s9 =	simm.s32 $0x0;
	s21 =	sshll.u32 s7, $0x1;
	s7 =	sadd.s32 s22, s5  }
0x9f: {  	[timem:s9], [sflag:s23] =	dma.local [hbm:s7], s21  }
0xa0: {  	_ =	swait.ge [sflag:s23], s21  }
0xa1: {  	s6 =	ssub.s32 $0x0, s21;
	[sflag:s23] =	ssyncset.done $0x0  }
0xa2: {  	[sflag:s23] =	ssyncadd.s32 s6;
	_ =	sdelay $0x1  }
0xa3: {  	s24 =	simm.s32 $0x1B8B  }
0xa4: {  	_ =	swait.ge [sflag:s24], $0x1  }
0xa5: {  	[sflag:s24] =	ssyncset.done $0x0  }
0xa6: {  	s25 =	simm.s32 $0x1B8E;
	[sflag:s24] =	ssyncadd.s32 $0xFFFFFFFF  }
0xa7: {  	s26 =	simm.s32 $execute0_lowered;
	[smem:$0x3FD2] =	sst s25  }
0xa8: {  	s6 =	sshll.u32 s26, $0x1;
	_ =	strace $0x80000046;
	[dreg:$0x1] =	wrdreg $0xFFFFFFFF  }
0xa9: {  	s28 =	simm.s32 $_size_execute0_lowered;
	s5 =	sadd.s32 s5, s6;
	[dreg:$0x0] =	wrdreg $0x0  }
0xaa: {  	s6 =	sshll.u32 s28, $0x1;
	[dreg:$0x2] =	wrdreg s5  }
0xab: {  	[dreg:$0x3] =	wrdreg s6  }
0xac: {  	[dreg:$0x4] =	wrdreg $0xC0  }
0xad: {  	_ =	task [dreg:s9], $0x5FFFF  }
0xae: {  	[dreg:$0x1] =	wrdreg $0xFFFFFFFF  }
0xaf: {  	[dreg:$0x0] =	wrdreg $0x60  }
0xb0: {  	[dreg:$0x2] =	wrdreg s2  }
0xb1: {  	[dreg:$0x3] =	wrdreg s19  }
0xb2: {  	[dreg:$0x4] =	wrdreg s4  }
0xb3: {  	[dreg:$0x5] =	wrdreg $0x9  }
0xb4: {  	_ =	task.clear_ibuf [dreg:s9], $0x6FFFF;
	_ =	strace $0x90000046  }
0xb5: {  	s29 =	simm.s32 $0x9;
	_ =	strace $0x80000048  }
0xb6: {  	_ =	swait.ge [sflag:s29], $0x1  }
0xb7: {  	[sflag:s29] =	ssyncadd.s32 $0xFFFFFFFF  }
0xb8: {  	_ =	strace $0x90000048  }
0xb9: {  	_ =	sfence  }
0xba: {  	s30 =	sld [smem:$0x0];
	_ =	sdelay $0x2  }
0xbb: {  	s31 =	sshll.u32 s1, $0xD;
	s1 =	sshrl.u32 s1, $0x2  }
0xbc: {  	s3 =	sand.u32 $0x4000, s31;
	s1 =	sadd.s32 s1, s30  }
0xbd: {  	s0 =	sor.u32 s3, s0;
	s1 =	sshll.u32 s1, $0x11  }
0xbe: {  	s0 =	sor.u32 s1, s0  }
0xbf: {  	s0 =	sadd.s32 $0x8F2B, s0  }
0xc0: {  	[sflag:s0] =	ssyncadd.remote.s32 $0x1  }
0xc1: {  	_ =	sfence.sel $0xFFFF  }
0xc2: {  	[dreg:$0x0] =	wrdreg $0xFFFFFFFF;
	(pc) =	sbr.abs _section_cstart, $3  }
0xc3: {  	[dreg:$0x1] =	wrdreg $0xFFFFFFFF  }
0xc4: {  	_ =	task.clear_ibuf [dreg:s9], $0x2FFFF;
	_ =	strace $0x9FFFFFFF  }
0xc5: {  	(tm) =	ssettm $0x7FFFFFFF  }
tec
execute0_lowered:
.L_overlay_start_1:
0x0: {  	(tag) =	ssettag $0x1  }
0x1: {  	s0 =	rddreg [dreg:$0x0]  }
0x2: {  	s2 =	rddreg [dreg:$0x1]  }
0x3: {  	s5 =	rddreg [dreg:$0x2]  }
0x4: {  	s4 =	srdreg.scid;
	s1 =	stileid.u32  }
0x5: {  	s3 =	simm.s32 $0x0;
	s9 =	simm.s32 $0x400;
	s10 =	simm.s32 $0x7A1400  }
0x6: {  	s11 =	simm.s32 $0x4280;
	s12 =	simm.s32 $0x5280;
	s13 =	simm.s32 $0x6280  }
0x7: {  	s14 =	simm.s32 $0x7280;
	s15 =	simm.s32 $0x8280;
	s16 =	simm.s32 $0x9280  }
0x8: {  	s17 =	simm.s32 $0xA280;
	s18 =	simm.s32 $0xB280;
	s19 =	simm.s32 $0xC280  }
0x9: {  	s20 =	simm.s32 $0xD280;
	s21 =	simm.s32 $0xE280;
	s22 =	simm.s32 $0xF280  }
0xa: {  	s23 =	simm.s32 $0x10280;
	s24 =	simm.s32 $0x11280;
	s25 =	simm.s32 $0x12280  }
0xb: {  	s26 =	simm.s32 $0x13280;
	s29 =	simm.s32 $0x0;
	s4 =	sand.u32 $0x1, s4  }
.Ltmp0:
0xc: {  	s6 =	sshll.u32 s1, $0x1;
	[smem:$0x7FF] =	sst s3;
	(pc) =	sbr.rel .LBB2_1-.Ltmp0, $4  }
0xd: {  	v0 =	vlaneseq.u32;
	s7 =	ssub.s32 $0x2, s4;
	s6 =	sor.u32 s4, s6;
	_ =	strace $0x80000047  }
0xe: {  	v0 =	vmul.u32 $0x80, v0;
	s30 =	sshrl.u32 s7, $0x1;
	s8 =	sshll.u32 s6, $0x6;
	s31 =	sshll.u32 s6, $0xB  }
0xf: {  	s7 =	ssub.s32 s7, s30;
	s4 =	sadd.s32 s0, s8;
	s5 =	sadd.s32 s5, s31  }
0x10: {  	v1 =	vor.u32 $0x800, v0;
	s8 =	simm.s32 $0x1;
	s6 =	smax.u32 s7, $0x1;
	s7 =	simm.s32 $0x2  }
.LBB2_5:
0x11: {  	s29 =	sadd.s32 $0x1, s29  }
0x12: {  	p0 =	sne.s32 s29, s6  }
.Ltmp1:
0x13: {  	s0 =	simm.s32 $0x280;
	(pc) =	sbr.rel @!p0 .LBB2_6-.Ltmp1, $4  }
0x14: {  	[hbm4b:s5+s3] =	stream.linear.scatter [tilespmem:s0], [sflag:$0x2], $0x4000, $0x38;
	[tilespmem:$0x14280] =	vst v63  }
0x15: {  	_ =	swait.ge [sflag:s7], $0x4000  }
0x16: {  	[sflag:s7] =	ssyncset.done $0x0  }
0x17: {  	[sflag:s7] =	ssyncadd.s32 $0xFFFFC000  }
.LBB2_1:
0x18: {  	[tilespmem:s3], [sflag:$0x2] =	stream.linear.gather [hbm4b:s4+s3], $0x200, $0x38;
	[tilespmem:$0x14280] =	vst v63  }
0x19: {  	_ =	swait.ge [sflag:s7], $0x200  }
0x1a: {  	[sflag:s7] =	ssyncset.done $0x0  }
0x1b: {  	[sflag:s7] =	ssyncadd.s32 $0xFFFFFE00  }
0x1c: {  	v2 =	vld [tilespmem:$0x0];
	_ =	sdelay $0x4  }
0x1d: {  	v2 =	vadd.s32 $0x1, v2  }
0x1e: {  	(v2sf) =	vpush v2, $0x0;
	_ =	sdelay $0x5  }
0x1f: {  	(v2sf) =	vpush v2, $0x1;
	_ =	sdelay $0x8  }
0x20: {  	s0 =	spop (v2sf)  }
0x21: {  	(v2sf) =	vpush v2, $0x2;
	s30 =	sand.u32 $0x7F, s0  }
0x22: {  	p1 =	slt.s32 s0, $0x1;
	p0 =	sne.s32 s30, $0x0;
	s30 =	sshra.s32 s0, $0x1F  }
0x23: {  	s30 =	sshrl.u32 s30, $0x19;
	p0 =	por !p1, !p0  }
0x24: {  	s0 =	sadd.s32 s30, s0;
	p0 =	por !p0, !p0;
	s30 =	simm.s32 $0x1  }
0x25: {  	s0 =	sshrl.u32 s0, $0x7;
	s30 =	simm.s32 @!p0 $0x0  }
0x26: {  	s1 =	spop (v2sf);
	s0 =	ssub.s32 s0, s30  }
0x27: {  	p6 =	slt.s32 s1, $0x1;
	s30 =	sand.u32 $0x7F, s1;
	s0 =	sshll.u32 s0, $0x7  }
0x28: {  	(v2sf) =	vpush v2, $0x3;
	p5 =	sne.s32 s30, $0x0;
	s30 =	sshra.s32 s1, $0x1F;
	s0 =	sand.u32 $0x1FFFFF80, s0  }
0x29: {  	s30 =	sshrl.u32 s30, $0x19;
	p0 =	por !p6, !p5;
	s0 =	sadd.s32 s2, s0  }
0x2a: {  	[tilespmem:s11], [sflag:$0x1] =	stream.strided.gather [hbm4b:s0+s9], $0x1000, s10, s9, $0x38;
	[tilespmem:$0x14280] =	vst v63  }
0x2b: {  	p0 =	por !p0, !p0;
	s0 =	sadd.s32 s30, s1;
	s30 =	simm.s32 $0x1  }
0x2c: {  	s0 =	sshrl.u32 s0, $0x7;
	s30 =	simm.s32 @!p0 $0x0  }
0x2d: {  	s0 =	ssub.s32 s0, s30  }
0x2e: {  	s0 =	sshll.u32 s0, $0x7  }
0x2f: {  	s0 =	sand.u32 $0x1FFFFF80, s0  }
0x30: {  	s0 =	sadd.s32 s2, s0;
	s28 =	spop (v2sf)  }
0x31: {  	[tilespmem:s12], [sflag:$0x1] =	stream.strided.gather [hbm4b:s0+s9], $0x1000, s10, s9, $0x38;
	[tilespmem:$0x14280] =	vst v63  }
0x32: {  	(v2sf) =	vpush v2, $0x4;
	s30 =	sand.u32 $0x7F, s28  }
0x33: {  	p2 =	slt.s32 s28, $0x1;
	p1 =	sne.s32 s30, $0x0;
	s30 =	sshra.s32 s28, $0x1F  }
0x34: {  	s30 =	sshrl.u32 s30, $0x19;
	p0 =	por !p2, !p1  }
0x35: {  	s0 =	sadd.s32 s30, s28;
	p0 =	por !p0, !p0;
	s30 =	simm.s32 $0x1  }
0x36: {  	s0 =	sshrl.u32 s0, $0x7;
	s30 =	simm.s32 @!p0 $0x0  }
0x37: {  	s1 =	spop (v2sf);
	s0 =	ssub.s32 s0, s30  }
0x38: {  	p4 =	slt.s32 s1, $0x1;
	s30 =	sand.u32 $0x7F, s1;
	s0 =	sshll.u32 s0, $0x7  }
0x39: {  	(v2sf) =	vpush v2, $0x5;
	p3 =	sne.s32 s30, $0x0;
	s30 =	sshra.s32 s1, $0x1F;
	s0 =	sand.u32 $0x1FFFFF80, s0  }
0x3a: {  	s30 =	sshrl.u32 s30, $0x19;
	p0 =	por !p4, !p3;
	s0 =	sadd.s32 s2, s0  }
0x3b: {  	[tilespmem:s13], [sflag:$0x1] =	stream.strided.gather [hbm4b:s0+s9], $0x1000, s10, s9, $0x38;
	[tilespmem:$0x14280] =	vst v63  }
0x3c: {  	p0 =	por !p0, !p0;
	s0 =	sadd.s32 s30, s1;
	s30 =	simm.s32 $0x1  }
0x3d: {  	s0 =	sshrl.u32 s0, $0x7;
	s30 =	simm.s32 @!p0 $0x0  }
0x3e: {  	s0 =	ssub.s32 s0, s30  }
0x3f: {  	s0 =	sshll.u32 s0, $0x7  }
0x40: {  	s0 =	sand.u32 $0x1FFFFF80, s0  }
0x41: {  	s0 =	sadd.s32 s2, s0;
	s28 =	spop (v2sf)  }
0x42: {  	[tilespmem:s14], [sflag:$0x1] =	stream.strided.gather [hbm4b:s0+s9], $0x1000, s10, s9, $0x38;
	[tilespmem:$0x14280] =	vst v63  }
0x43: {  	(v2sf) =	vpush v2, $0x6;
	s30 =	sand.u32 $0x7F, s28  }
0x44: {  	p6 =	slt.s32 s28, $0x1;
	p5 =	sne.s32 s30, $0x0;
	s30 =	sshra.s32 s28, $0x1F  }
0x45: {  	s30 =	sshrl.u32 s30, $0x19;
	p0 =	por !p6, !p5  }
0x46: {  	s0 =	sadd.s32 s30, s28;
	p0 =	por !p0, !p0;
	s30 =	simm.s32 $0x1  }
0x47: {  	s0 =	sshrl.u32 s0, $0x7;
	s30 =	simm.s32 @!p0 $0x0  }
0x48: {  	s1 =	spop (v2sf);
	s0 =	ssub.s32 s0, s30  }
0x49: {  	p2 =	slt.s32 s1, $0x1;
	s30 =	sand.u32 $0x7F, s1;
	s0 =	sshll.u32 s0, $0x7  }
0x4a: {  	(v2sf) =	vpush v2, $0x7;
	p1 =	sne.s32 s30, $0x0;
	s30 =	sshra.s32 s1, $0x1F;
	s0 =	sand.u32 $0x1FFFFF80, s0  }
0x4b: {  	s30 =	sshrl.u32 s30, $0x19;
	p0 =	por !p2, !p1;
	s0 =	sadd.s32 s2, s0  }
0x4c: {  	[tilespmem:s15], [sflag:$0x1] =	stream.strided.gather [hbm4b:s0+s9], $0x1000, s10, s9, $0x38;
	[tilespmem:$0x14280] =	vst v63  }
0x4d: {  	p0 =	por !p0, !p0;
	s0 =	sadd.s32 s30, s1;
	s30 =	simm.s32 $0x1  }
0x4e: {  	s0 =	sshrl.u32 s0, $0x7;
	s30 =	simm.s32 @!p0 $0x0  }
0x4f: {  	s0 =	ssub.s32 s0, s30  }
0x50: {  	s0 =	sshll.u32 s0, $0x7  }
0x51: {  	s0 =	sand.u32 $0x1FFFFF80, s0  }
0x52: {  	s30 =	spop (v2sf);
	s0 =	sadd.s32 s2, s0  }
0x53: {  	[tilespmem:s16], [sflag:$0x1] =	stream.strided.gather [hbm4b:s0+s9], $0x1000, s10, s9, $0x38;
	[tilespmem:$0x14280] =	vst v63  }
0x54: {  	s28 =	sand.u32 $0x7F, s30  }
0x55: {  	s1 =	sshra.s32 s30, $0x1F;
	p4 =	slt.s32 s30, $0x1;
	p3 =	sne.s32 s28, $0x0  }
0x56: {  	s0 =	sshrl.u32 s1, $0x19;
	p0 =	por !p4, !p3  }
0x57: {  	s0 =	sadd.s32 s0, s30;
	s30 =	simm.s32 $0x1;
	p0 =	por !p0, !p0  }
0x58: {  	s0 =	sshrl.u32 s0, $0x7;
	s30 =	simm.s32 @!p0 $0x0  }
0x59: {  	s28 =	spop (v2sf);
	s0 =	ssub.s32 s0, s30  }
0x5a: {  	p6 =	slt.s32 s28, $0x1;
	s30 =	sand.u32 $0x7F, s28;
	s0 =	sshll.u32 s0, $0x7  }
0x5b: {  	p5 =	sne.s32 s30, $0x0;
	s30 =	sshra.s32 s28, $0x1F;
	s0 =	sand.u32 $0x1FFFFF80, s0  }
0x5c: {  	s30 =	sshrl.u32 s30, $0x19;
	p0 =	por !p6, !p5;
	s0 =	sadd.s32 s2, s0  }
0x5d: {  	[tilespmem:s17], [sflag:$0x1] =	stream.strided.gather [hbm4b:s0+s9], $0x1000, s10, s9, $0x38;
	[tilespmem:$0x14280] =	vst v63  }
0x5e: {  	p0 =	por !p0, !p0;
	s0 =	sadd.s32 s30, s28;
	s30 =	simm.s32 $0x1  }
0x5f: {  	s0 =	sshrl.u32 s0, $0x7;
	s30 =	simm.s32 @!p0 $0x0  }
.Ltmp2:
0x60: {  	s0 =	ssub.s32 s0, s30;
	(pc) =	sbr.rel .LBB2_2-.Ltmp2, $4  }
0x61: {  	s0 =	sshll.u32 s0, $0x7  }
0x62: {  	s0 =	sand.u32 $0x1FFFFF80, s0  }
0x63: {  	s31 =	simm.s32 $0x0;
	s30 =	simm.s32 $0x380;
	s0 =	sadd.s32 s2, s0  }
0x64: {  	[tilespmem:s18], [sflag:$0x1] =	stream.strided.gather [hbm4b:s0+s9], $0x1000, s10, s9, $0x38;
	[tilespmem:$0x14280] =	vst v63  }
.LBB2_4:
0x65: {  	v2 =	vld [tilespmem:s0+$0x8];
	_ =	sdelay $0x4  }
0x66: {  	_ =	swait.ge [sflag:s8], $0x1000;
	v2 =	vadd.s32 $0x1, v2  }
0x67: {  	(v2sf) =	vpush v2, $0x0;
	_ =	sdelay $0xe  }
0x68: {  	s1 =	spop (v2sf)  }
0x69: {  	s0 =	sand.u32 $0x7F, s1  }
0x6a: {  	v3 =	vor.u32 s0, v0  }
0x6b: {  	v4 =	vor.u32 s0, v1;
	_ =	sdelay $0x1  }
0x6c: {  	[sflag:s8] =	ssyncset.done $0x0  }
0x6d: {  	[sflag:s8] =	ssyncadd.s32 $0xFFFFF000  }
0x6e: {  	v3 =	vld.idx.msk [tilespmem:v3+s19+$0x0], $0xffff  }
0x6f: {  	v4 =	vld.idx.msk [tilespmem:v4+s19+$0x0], $0xffff;
	_ =	sdelay $0x3  }
0x70: {  	[tilespmem:s30+$0x0] =	vst v3  }
0x71: {  	[tilespmem:s30+$0x10] =	vst v4  }
0x72: {  	_ =	swait.ge [sflag:s8], $0x1000  }
0x73: {  	(v2sf) =	vpush v2, $0x1;
	_ =	sdelay $0xe  }
0x74: {  	s28 =	spop (v2sf)  }
0x75: {  	s0 =	sand.u32 $0x7F, s28  }
0x76: {  	v3 =	vor.u32 s0, v0  }
0x77: {  	v58 =	vor.u32 s0, v1;
	_ =	sdelay $0x1  }
0x78: {  	[sflag:s8] =	ssyncset.done $0x0  }
0x79: {  	[sflag:s8] =	ssyncadd.s32 $0xFFFFF000  }
0x7a: {  	v3 =	vld.idx.msk [tilespmem:v3+s20+$0x0], $0xffff  }
0x7b: {  	v4 =	vld.idx.msk [tilespmem:v58+s20+$0x0], $0xffff;
	_ =	sdelay $0x3  }
0x7c: {  	[tilespmem:s30+$0x20] =	vst v3  }
0x7d: {  	[tilespmem:s30+$0x30] =	vst v4  }
0x7e: {  	_ =	swait.ge [sflag:s8], $0x1000  }
0x7f: {  	(v2sf) =	vpush v2, $0x2;
	_ =	sdelay $0xe  }
0x80: {  	s1 =	spop (v2sf)  }
0x81: {  	s0 =	sand.u32 $0x7F, s1  }
0x82: {  	v3 =	vor.u32 s0, v0  }
0x83: {  	v59 =	vor.u32 s0, v1;
	_ =	sdelay $0x1  }
0x84: {  	[sflag:s8] =	ssyncset.done $0x0  }
0x85: {  	[sflag:s8] =	ssyncadd.s32 $0xFFFFF000  }
0x86: {  	v3 =	vld.idx.msk [tilespmem:v3+s21+$0x0], $0xffff  }
0x87: {  	v4 =	vld.idx.msk [tilespmem:v59+s21+$0x0], $0xffff;
	_ =	sdelay $0x3  }
0x88: {  	[tilespmem:s30+$0x40] =	vst v3  }
0x89: {  	[tilespmem:s30+$0x50] =	vst v4  }
0x8a: {  	_ =	swait.ge [sflag:s8], $0x1000  }
0x8b: {  	(v2sf) =	vpush v2, $0x3;
	_ =	sdelay $0xe  }
0x8c: {  	s28 =	spop (v2sf)  }
0x8d: {  	s0 =	sand.u32 $0x7F, s28  }
0x8e: {  	v3 =	vor.u32 s0, v0  }
0x8f: {  	v60 =	vor.u32 s0, v1;
	_ =	sdelay $0x1  }
0x90: {  	[sflag:s8] =	ssyncset.done $0x0  }
0x91: {  	[sflag:s8] =	ssyncadd.s32 $0xFFFFF000  }
0x92: {  	v3 =	vld.idx.msk [tilespmem:v3+s22+$0x0], $0xffff  }
0x93: {  	v4 =	vld.idx.msk [tilespmem:v60+s22+$0x0], $0xffff;
	_ =	sdelay $0x3  }
0x94: {  	[tilespmem:s30+$0x60] =	vst v3  }
0x95: {  	[tilespmem:s30+$0x70] =	vst v4  }
0x96: {  	_ =	swait.ge [sflag:s8], $0x1000  }
0x97: {  	(v2sf) =	vpush v2, $0x4;
	_ =	sdelay $0xe  }
0x98: {  	s1 =	spop (v2sf)  }
0x99: {  	s0 =	sand.u32 $0x7F, s1  }
0x9a: {  	v3 =	vor.u32 s0, v0  }
0x9b: {  	v61 =	vor.u32 s0, v1;
	_ =	sdelay $0x1  }
0x9c: {  	[sflag:s8] =	ssyncset.done $0x0  }
0x9d: {  	[sflag:s8] =	ssyncadd.s32 $0xFFFFF000  }
0x9e: {  	v3 =	vld.idx.msk [tilespmem:v3+s23+$0x0], $0xffff  }
0x9f: {  	v4 =	vld.idx.msk [tilespmem:v61+s23+$0x0], $0xffff;
	_ =	sdelay $0x3  }
0xa0: {  	[tilespmem:s30+$0x80] =	vst v3  }
0xa1: {  	[tilespmem:s30+$0x90] =	vst v4  }
0xa2: {  	_ =	swait.ge [sflag:s8], $0x1000  }
0xa3: {  	(v2sf) =	vpush v2, $0x5;
	_ =	sdelay $0xe  }
0xa4: {  	s28 =	spop (v2sf)  }
0xa5: {  	s0 =	sand.u32 $0x7F, s28  }
0xa6: {  	v3 =	vor.u32 s0, v0  }
0xa7: {  	v62 =	vor.u32 s0, v1;
	_ =	sdelay $0x1  }
0xa8: {  	[sflag:s8] =	ssyncset.done $0x0  }
0xa9: {  	[sflag:s8] =	ssyncadd.s32 $0xFFFFF000  }
0xaa: {  	v3 =	vld.idx.msk [tilespmem:v3+s24+$0x0], $0xffff  }
0xab: {  	v4 =	vld.idx.msk [tilespmem:v62+s24+$0x0], $0xffff;
	_ =	sdelay $0x3  }
0xac: {  	[tilespmem:s30+$0xA0] =	vst v3  }
0xad: {  	[tilespmem:s30+$0xB0] =	vst v4  }
0xae: {  	_ =	swait.ge [sflag:s8], $0x1000  }
0xaf: {  	(v2sf) =	vpush v2, $0x6;
	_ =	sdelay $0xe  }
0xb0: {  	s1 =	spop (v2sf)  }
0xb1: {  	s0 =	sand.u32 $0x7F, s1  }
0xb2: {  	v3 =	vor.u32 s0, v0  }
0xb3: {  	v63 =	vor.u32 s0, v1;
	_ =	sdelay $0x1  }
0xb4: {  	[sflag:s8] =	ssyncset.done $0x0  }
0xb5: {  	[sflag:s8] =	ssyncadd.s32 $0xFFFFF000  }
0xb6: {  	v3 =	vld.idx.msk [tilespmem:v3+s25+$0x0], $0xffff  }
0xb7: {  	v4 =	vld.idx.msk [tilespmem:v63+s25+$0x0], $0xffff;
	_ =	sdelay $0x3  }
0xb8: {  	[tilespmem:s30+$0xC0] =	vst v3  }
0xb9: {  	[tilespmem:s30+$0xD0] =	vst v4  }
0xba: {  	_ =	swait.ge [sflag:s8], $0x1000  }
0xbb: {  	(v2sf) =	vpush v2, $0x7;
	_ =	sdelay $0xe  }
0xbc: {  	s28 =	spop (v2sf)  }
0xbd: {  	s0 =	sand.u32 $0x7F, s28  }
0xbe: {  	v2 =	vor.u32 s0, v0  }
0xbf: {  	v3 =	vor.u32 s0, v1;
	_ =	sdelay $0x1  }
0xc0: {  	[sflag:s8] =	ssyncset.done $0x0  }
0xc1: {  	[sflag:s8] =	ssyncadd.s32 $0xFFFFF000  }
0xc2: {  	s31 =	sadd.s32 $0x40, s31;
	v2 =	vld.idx.msk [tilespmem:v2+s26+$0x0], $0xffff  }
0xc3: {  	p0 =	sne.s32 s31, $0x800;
	v3 =	vld.idx.msk [tilespmem:v3+s26+$0x0], $0xffff  }
.Ltmp3:
0xc4: {  	_ = 	snop;
	(pc) =	sbr.rel @!p0 .LBB2_5-.Ltmp3, $3  }
0xc5: {  	_ =	sdelay $0x1  }
0xc6: {  	[tilespmem:s30+$0xE0] =	vst v2  }
0xc7: {  	[tilespmem:s30+$0xF0] =	vst v3;
	s30 =	sadd.s32 $0x200, s30  }
.LBB2_2:
0xc8: {  	s0 =	sshra.s32 s31, $0x2  }
0xc9: {  	v2 =	vld [tilespmem:s0+$0x8];
	_ =	sdelay $0x4  }
0xca: {  	v2 =	vadd.s32 $0x1, v2  }
0xcb: {  	(v2sf) =	vpush v2, $0x0;
	_ =	sdelay $0xa  }
0xcc: {  	(v2sf) =	vpush v2, $0x1;
	_ =	sdelay $0x3  }
0xcd: {  	s1 =	spop (v2sf)  }
0xce: {  	s28 =	sand.u32 $0x7F, s1  }
0xcf: {  	p1 =	slt.s32 s1, $0x1;
	p0 =	sne.s32 s28, $0x0;
	s28 =	sshra.s32 s1, $0x1F  }
0xd0: {  	s28 =	sshrl.u32 s28, $0x19;
	p0 =	por !p1, !p0  }
0xd1: {  	s1 =	sadd.s32 s28, s1;
	p0 =	por !p0, !p0;
	s28 =	simm.s32 $0x1  }
0xd2: {  	s1 =	sshrl.u32 s1, $0x7;
	s28 =	simm.s32 @!p0 $0x0  }
0xd3: {  	s1 =	ssub.s32 s1, s28  }
0xd4: {  	(v2sf) =	vpush v2, $0x2;
	s1 =	sshll.u32 s1, $0x7  }
0xd5: {  	s1 =	sand.u32 $0x1FFFFF80, s1  }
0xd6: {  	s1 =	sadd.s32 s2, s1  }
0xd7: {  	[tilespmem:s19], [sflag:$0x1] =	stream.strided.gather [hbm4b:s1+s9], $0x1000, s10, s9, $0x38;
	[tilespmem:$0x14280] =	vst v63  }
0xd8: {  	s1 =	spop (v2sf)  }
0xd9: {  	s28 =	sand.u32 $0x7F, s1  }
0xda: {  	p6 =	slt.s32 s1, $0x1;
	p5 =	sne.s32 s28, $0x0;
	s28 =	sshra.s32 s1, $0x1F  }
0xdb: {  	s28 =	sshrl.u32 s28, $0x19;
	p0 =	por !p6, !p5  }
0xdc: {  	s1 =	sadd.s32 s28, s1;
	p0 =	por !p0, !p0;
	s28 =	simm.s32 $0x1  }
0xdd: {  	s1 =	sshrl.u32 s1, $0x7;
	s28 =	simm.s32 @!p0 $0x0  }
0xde: {  	s1 =	ssub.s32 s1, s28  }
0xdf: {  	(v2sf) =	vpush v2, $0x3;
	s1 =	sshll.u32 s1, $0x7  }
0xe0: {  	s1 =	sand.u32 $0x1FFFFF80, s1  }
0xe1: {  	s1 =	sadd.s32 s2, s1  }
0xe2: {  	[tilespmem:s20], [sflag:$0x1] =	stream.strided.gather [hbm4b:s1+s9], $0x1000, s10, s9, $0x38;
	[tilespmem:$0x14280] =	vst v63  }
0xe3: {  	s1 =	spop (v2sf)  }
0xe4: {  	s28 =	sand.u32 $0x7F, s1  }
0xe5: {  	p2 =	slt.s32 s1, $0x1;
	p1 =	sne.s32 s28, $0x0;
	s28 =	sshra.s32 s1, $0x1F  }
0xe6: {  	s28 =	sshrl.u32 s28, $0x19;
	p0 =	por !p2, !p1  }
0xe7: {  	s1 =	sadd.s32 s28, s1;
	p0 =	por !p0, !p0;
	s28 =	simm.s32 $0x1  }
0xe8: {  	s1 =	sshrl.u32 s1, $0x7;
	s28 =	simm.s32 @!p0 $0x0  }
0xe9: {  	s1 =	ssub.s32 s1, s28  }
0xea: {  	(v2sf) =	vpush v2, $0x4;
	s1 =	sshll.u32 s1, $0x7  }
0xeb: {  	s1 =	sand.u32 $0x1FFFFF80, s1  }
0xec: {  	s1 =	sadd.s32 s2, s1  }
0xed: {  	[tilespmem:s21], [sflag:$0x1] =	stream.strided.gather [hbm4b:s1+s9], $0x1000, s10, s9, $0x38;
	[tilespmem:$0x14280] =	vst v63  }
0xee: {  	s1 =	spop (v2sf)  }
0xef: {  	s28 =	sand.u32 $0x7F, s1  }
0xf0: {  	p4 =	slt.s32 s1, $0x1;
	p3 =	sne.s32 s28, $0x0;
	s28 =	sshra.s32 s1, $0x1F  }
0xf1: {  	s28 =	sshrl.u32 s28, $0x19;
	p0 =	por !p4, !p3  }
0xf2: {  	s1 =	sadd.s32 s28, s1;
	p0 =	por !p0, !p0;
	s28 =	simm.s32 $0x1  }
0xf3: {  	s1 =	sshrl.u32 s1, $0x7;
	s28 =	simm.s32 @!p0 $0x0  }
0xf4: {  	s1 =	ssub.s32 s1, s28  }
0xf5: {  	(v2sf) =	vpush v2, $0x5;
	s1 =	sshll.u32 s1, $0x7  }
0xf6: {  	s1 =	sand.u32 $0x1FFFFF80, s1  }
0xf7: {  	s1 =	sadd.s32 s2, s1  }
0xf8: {  	[tilespmem:s22], [sflag:$0x1] =	stream.strided.gather [hbm4b:s1+s9], $0x1000, s10, s9, $0x38;
	[tilespmem:$0x14280] =	vst v63  }
0xf9: {  	s1 =	spop (v2sf)  }
0xfa: {  	s28 =	sand.u32 $0x7F, s1  }
0xfb: {  	p6 =	slt.s32 s1, $0x1;
	p5 =	sne.s32 s28, $0x0;
	s28 =	sshra.s32 s1, $0x1F  }
0xfc: {  	s28 =	sshrl.u32 s28, $0x19;
	p0 =	por !p6, !p5  }
0xfd: {  	s1 =	sadd.s32 s28, s1;
	p0 =	por !p0, !p0;
	s28 =	simm.s32 $0x1  }
0xfe: {  	(v2sf) =	vpush v2, $0x6;
	s1 =	sshrl.u32 s1, $0x7;
	s28 =	simm.s32 @!p0 $0x0  }
0xff: {  	s1 =	ssub.s32 s1, s28  }
0x100: {  	s1 =	sshll.u32 s1, $0x7  }
0x101: {  	s1 =	sand.u32 $0x1FFFFF80, s1  }
0x102: {  	s1 =	sadd.s32 s2, s1  }
0x103: {  	[tilespmem:s23], [sflag:$0x1] =	stream.strided.gather [hbm4b:s1+s9], $0x1000, s10, s9, $0x38;
	[tilespmem:$0x14280] =	vst v63  }
0x104: {  	s1 =	spop (v2sf)  }
0x105: {  	s28 =	sand.u32 $0x7F, s1  }
0x106: {  	p2 =	slt.s32 s1, $0x1;
	p1 =	sne.s32 s28, $0x0;
	s28 =	sshra.s32 s1, $0x1F  }
0x107: {  	s28 =	sshrl.u32 s28, $0x19;
	p0 =	por !p2, !p1  }
0x108: {  	s1 =	sadd.s32 s28, s1;
	p0 =	por !p0, !p0;
	s28 =	simm.s32 $0x1  }
0x109: {  	s1 =	sshrl.u32 s1, $0x7;
	s28 =	simm.s32 @!p0 $0x0  }
0x10a: {  	(v2sf) =	vpush v2, $0x7;
	s1 =	ssub.s32 s1, s28  }
0x10b: {  	s1 =	sshll.u32 s1, $0x7  }
0x10c: {  	s1 =	sand.u32 $0x1FFFFF80, s1  }
0x10d: {  	s28 =	spop (v2sf);
	s1 =	sadd.s32 s2, s1  }
0x10e: {  	[tilespmem:s24], [sflag:$0x1] =	stream.strided.gather [hbm4b:s1+s9], $0x1000, s10, s9, $0x38;
	[tilespmem:$0x14280] =	vst v63  }
0x10f: {  	s1 =	sand.u32 $0x7F, s28  }
0x110: {  	p4 =	slt.s32 s28, $0x1;
	p3 =	sne.s32 s1, $0x0;
	s1 =	sshra.s32 s28, $0x1F  }
0x111: {  	s1 =	sshrl.u32 s1, $0x19;
	p0 =	por !p4, !p3  }
0x112: {  	s1 =	sadd.s32 s1, s28;
	p0 =	por !p0, !p0;
	s28 =	simm.s32 $0x1  }
0x113: {  	s1 =	sshrl.u32 s1, $0x7;
	s28 =	simm.s32 @!p0 $0x0  }
0x114: {  	s1 =	ssub.s32 s1, s28  }
0x115: {  	s1 =	sshll.u32 s1, $0x7  }
0x116: {  	s1 =	sand.u32 $0x1FFFFF80, s1  }
0x117: {  	s1 =	sadd.s32 s2, s1  }
0x118: {  	[tilespmem:s25], [sflag:$0x1] =	stream.strided.gather [hbm4b:s1+s9], $0x1000, s10, s9, $0x38;
	[tilespmem:$0x14280] =	vst v63  }
0x119: {  	s1 =	spop (v2sf)  }
0x11a: {  	s28 =	sand.u32 $0x7F, s1  }
0x11b: {  	p6 =	slt.s32 s1, $0x1;
	p5 =	sne.s32 s28, $0x0;
	s28 =	sshra.s32 s1, $0x1F  }
0x11c: {  	s28 =	sshrl.u32 s28, $0x19;
	p0 =	por !p6, !p5  }
0x11d: {  	s1 =	sadd.s32 s28, s1;
	p0 =	por !p0, !p0;
	s28 =	simm.s32 $0x1  }
0x11e: {  	s1 =	sshrl.u32 s1, $0x7;
	s28 =	simm.s32 @!p0 $0x0  }
0x11f: {  	s1 =	ssub.s32 s1, s28  }
0x120: {  	s1 =	sshll.u32 s1, $0x7  }
0x121: {  	s1 =	sand.u32 $0x1FFFFF80, s1  }
0x122: {  	s1 =	sadd.s32 s2, s1  }
0x123: {  	[tilespmem:s26], [sflag:$0x1] =	stream.strided.gather [hbm4b:s1+s9], $0x1000, s10, s9, $0x38;
	[tilespmem:$0x14280] =	vst v63  }
0x124: {  	v2 =	vld [tilespmem:s0+$0x0];
	_ =	sdelay $0x4  }
0x125: {  	_ =	swait.ge [sflag:s8], $0x1000;
	v2 =	vadd.s32 $0x1, v2  }
0x126: {  	(v2sf) =	vpush v2, $0x0;
	_ =	sdelay $0xe  }
0x127: {  	s28 =	spop (v2sf)  }
0x128: {  	s1 =	sand.u32 $0x7F, s28  }
0x129: {  	v3 =	vor.u32 s1, v0  }
0x12a: {  	v4 =	vor.u32 s1, v1;
	_ =	sdelay $0x1  }
0x12b: {  	[sflag:s8] =	ssyncset.done $0x0  }
0x12c: {  	[sflag:s8] =	ssyncadd.s32 $0xFFFFF000  }
0x12d: {  	v3 =	vld.idx.msk [tilespmem:v3+s11+$0x0], $0xffff  }
0x12e: {  	v4 =	vld.idx.msk [tilespmem:v4+s11+$0x0], $0xffff;
	_ =	sdelay $0x3  }
0x12f: {  	[tilespmem:s30+$0xFFFFFF00] =	vst v3  }
0x130: {  	[tilespmem:s30+$0xFFFFFF10] =	vst v4  }
0x131: {  	_ =	swait.ge [sflag:s8], $0x1000  }
0x132: {  	(v2sf) =	vpush v2, $0x1;
	_ =	sdelay $0xe  }
0x133: {  	s28 =	spop (v2sf)  }
0x134: {  	s1 =	sand.u32 $0x7F, s28  }
0x135: {  	v3 =	vor.u32 s1, v0  }
0x136: {  	v58 =	vor.u32 s1, v1;
	_ =	sdelay $0x1  }
0x137: {  	[sflag:s8] =	ssyncset.done $0x0  }
0x138: {  	[sflag:s8] =	ssyncadd.s32 $0xFFFFF000  }
0x139: {  	v3 =	vld.idx.msk [tilespmem:v3+s12+$0x0], $0xffff  }
0x13a: {  	v4 =	vld.idx.msk [tilespmem:v58+s12+$0x0], $0xffff;
	_ =	sdelay $0x3  }
0x13b: {  	[tilespmem:s30+$0xFFFFFF20] =	vst v3  }
0x13c: {  	[tilespmem:s30+$0xFFFFFF30] =	vst v4  }
0x13d: {  	_ =	swait.ge [sflag:s8], $0x1000  }
0x13e: {  	(v2sf) =	vpush v2, $0x2;
	_ =	sdelay $0xe  }
0x13f: {  	s28 =	spop (v2sf)  }
0x140: {  	s1 =	sand.u32 $0x7F, s28  }
0x141: {  	v3 =	vor.u32 s1, v0  }
0x142: {  	v59 =	vor.u32 s1, v1;
	_ =	sdelay $0x1  }
0x143: {  	[sflag:s8] =	ssyncset.done $0x0  }
0x144: {  	[sflag:s8] =	ssyncadd.s32 $0xFFFFF000  }
0x145: {  	v3 =	vld.idx.msk [tilespmem:v3+s13+$0x0], $0xffff  }
0x146: {  	v4 =	vld.idx.msk [tilespmem:v59+s13+$0x0], $0xffff;
	_ =	sdelay $0x3  }
0x147: {  	[tilespmem:s30+$0xFFFFFF40] =	vst v3  }
0x148: {  	[tilespmem:s30+$0xFFFFFF50] =	vst v4  }
0x149: {  	_ =	swait.ge [sflag:s8], $0x1000  }
0x14a: {  	(v2sf) =	vpush v2, $0x3;
	_ =	sdelay $0xe  }
0x14b: {  	s28 =	spop (v2sf)  }
0x14c: {  	s1 =	sand.u32 $0x7F, s28  }
0x14d: {  	v3 =	vor.u32 s1, v0  }
0x14e: {  	v60 =	vor.u32 s1, v1;
	_ =	sdelay $0x1  }
0x14f: {  	[sflag:s8] =	ssyncset.done $0x0  }
0x150: {  	[sflag:s8] =	ssyncadd.s32 $0xFFFFF000  }
0x151: {  	v3 =	vld.idx.msk [tilespmem:v3+s14+$0x0], $0xffff  }
0x152: {  	v4 =	vld.idx.msk [tilespmem:v60+s14+$0x0], $0xffff;
	_ =	sdelay $0x3  }
0x153: {  	[tilespmem:s30+$0xFFFFFF60] =	vst v3  }
0x154: {  	[tilespmem:s30+$0xFFFFFF70] =	vst v4  }
0x155: {  	_ =	swait.ge [sflag:s8], $0x1000  }
0x156: {  	(v2sf) =	vpush v2, $0x4;
	_ =	sdelay $0xe  }
0x157: {  	s28 =	spop (v2sf)  }
0x158: {  	s1 =	sand.u32 $0x7F, s28  }
0x159: {  	v3 =	vor.u32 s1, v0  }
0x15a: {  	v61 =	vor.u32 s1, v1;
	_ =	sdelay $0x1  }
0x15b: {  	[sflag:s8] =	ssyncset.done $0x0  }
0x15c: {  	[sflag:s8] =	ssyncadd.s32 $0xFFFFF000  }
0x15d: {  	v3 =	vld.idx.msk [tilespmem:v3+s15+$0x0], $0xffff  }
0x15e: {  	v4 =	vld.idx.msk [tilespmem:v61+s15+$0x0], $0xffff;
	_ =	sdelay $0x3  }
0x15f: {  	[tilespmem:s30+$0xFFFFFF80] =	vst v3  }
0x160: {  	[tilespmem:s30+$0xFFFFFF90] =	vst v4  }
0x161: {  	_ =	swait.ge [sflag:s8], $0x1000  }
0x162: {  	(v2sf) =	vpush v2, $0x5;
	_ =	sdelay $0xe  }
0x163: {  	s28 =	spop (v2sf)  }
0x164: {  	s1 =	sand.u32 $0x7F, s28  }
0x165: {  	v3 =	vor.u32 s1, v0  }
0x166: {  	v62 =	vor.u32 s1, v1;
	_ =	sdelay $0x1  }
0x167: {  	[sflag:s8] =	ssyncset.done $0x0  }
0x168: {  	[sflag:s8] =	ssyncadd.s32 $0xFFFFF000  }
0x169: {  	v3 =	vld.idx.msk [tilespmem:v3+s16+$0x0], $0xffff  }
0x16a: {  	v4 =	vld.idx.msk [tilespmem:v62+s16+$0x0], $0xffff;
	_ =	sdelay $0x3  }
0x16b: {  	[tilespmem:s30+$0xFFFFFFA0] =	vst v3  }
0x16c: {  	[tilespmem:s30+$0xFFFFFFB0] =	vst v4  }
0x16d: {  	_ =	swait.ge [sflag:s8], $0x1000  }
0x16e: {  	(v2sf) =	vpush v2, $0x6;
	_ =	sdelay $0xe  }
0x16f: {  	s28 =	spop (v2sf)  }
0x170: {  	s1 =	sand.u32 $0x7F, s28  }
0x171: {  	v3 =	vor.u32 s1, v0  }
0x172: {  	v63 =	vor.u32 s1, v1;
	_ =	sdelay $0x1  }
0x173: {  	[sflag:s8] =	ssyncset.done $0x0  }
0x174: {  	[sflag:s8] =	ssyncadd.s32 $0xFFFFF000  }
0x175: {  	v3 =	vld.idx.msk [tilespmem:v3+s17+$0x0], $0xffff  }
0x176: {  	v4 =	vld.idx.msk [tilespmem:v63+s17+$0x0], $0xffff;
	_ =	sdelay $0x3  }
0x177: {  	[tilespmem:s30+$0xFFFFFFC0] =	vst v3  }
0x178: {  	[tilespmem:s30+$0xFFFFFFD0] =	vst v4  }
0x179: {  	_ =	swait.ge [sflag:s8], $0x1000  }
0x17a: {  	(v2sf) =	vpush v2, $0x7;
	_ =	sdelay $0xe  }
0x17b: {  	s28 =	spop (v2sf)  }
0x17c: {  	s1 =	sand.u32 $0x7F, s28  }
0x17d: {  	v2 =	vor.u32 s1, v0  }
0x17e: {  	v3 =	vor.u32 s1, v1;
	_ =	sdelay $0x1  }
0x17f: {  	[sflag:s8] =	ssyncset.done $0x0  }
0x180: {  	[sflag:s8] =	ssyncadd.s32 $0xFFFFF000  }
0x181: {  	v2 =	vld.idx.msk [tilespmem:v2+s18+$0x0], $0xffff  }
0x182: {  	p0 =	seq.s32 s31, $0x7C0;
	v3 =	vld.idx.msk [tilespmem:v3+s18+$0x0], $0xffff  }
.Ltmp4:
0x183: {  	_ = 	snop;
	(pc) =	sbr.rel @p0 .LBB2_4-.Ltmp4, $3  }
0x184: {  	_ =	sdelay $0x1  }
0x185: {  	[tilespmem:s30+$0xFFFFFFE0] =	vst v2  }
0x186: {  	[tilespmem:s30+$0xFFFFFFF0] =	vst v3  }
0x187: {  	v2 =	vld [tilespmem:s0+$0x10];
	_ =	sdelay $0x4  }
0x188: {  	v2 =	vadd.s32 $0x1, v2  }
0x189: {  	(v2sf) =	vpush v2, $0x0;
	_ =	sdelay $0xa  }
0x18a: {  	(v2sf) =	vpush v2, $0x1;
	_ =	sdelay $0x3  }
0x18b: {  	s1 =	spop (v2sf)  }
0x18c: {  	s28 =	sand.u32 $0x7F, s1  }
0x18d: {  	p1 =	slt.s32 s1, $0x1;
	p0 =	sne.s32 s28, $0x0;
	s28 =	sshra.s32 s1, $0x1F  }
0x18e: {  	s28 =	sshrl.u32 s28, $0x19;
	p0 =	por !p1, !p0  }
0x18f: {  	s1 =	sadd.s32 s28, s1;
	p0 =	por !p0, !p0;
	s28 =	simm.s32 $0x1  }
0x190: {  	s1 =	sshrl.u32 s1, $0x7;
	s28 =	simm.s32 @!p0 $0x0  }
0x191: {  	s1 =	ssub.s32 s1, s28  }
0x192: {  	(v2sf) =	vpush v2, $0x2;
	s1 =	sshll.u32 s1, $0x7  }
0x193: {  	s1 =	sand.u32 $0x1FFFFF80, s1  }
0x194: {  	s1 =	sadd.s32 s2, s1  }
0x195: {  	[tilespmem:s11], [sflag:$0x1] =	stream.strided.gather [hbm4b:s1+s9], $0x1000, s10, s9, $0x38;
	[tilespmem:$0x14280] =	vst v63  }
0x196: {  	s1 =	spop (v2sf)  }
0x197: {  	s28 =	sand.u32 $0x7F, s1  }
0x198: {  	p6 =	slt.s32 s1, $0x1;
	p5 =	sne.s32 s28, $0x0;
	s28 =	sshra.s32 s1, $0x1F  }
0x199: {  	s28 =	sshrl.u32 s28, $0x19;
	p0 =	por !p6, !p5  }
0x19a: {  	s1 =	sadd.s32 s28, s1;
	p0 =	por !p0, !p0;
	s28 =	simm.s32 $0x1  }
0x19b: {  	s1 =	sshrl.u32 s1, $0x7;
	s28 =	simm.s32 @!p0 $0x0  }
0x19c: {  	s1 =	ssub.s32 s1, s28  }
0x19d: {  	(v2sf) =	vpush v2, $0x3;
	s1 =	sshll.u32 s1, $0x7  }
0x19e: {  	s1 =	sand.u32 $0x1FFFFF80, s1  }
0x19f: {  	s1 =	sadd.s32 s2, s1  }
0x1a0: {  	[tilespmem:s12], [sflag:$0x1] =	stream.strided.gather [hbm4b:s1+s9], $0x1000, s10, s9, $0x38;
	[tilespmem:$0x14280] =	vst v63  }
0x1a1: {  	s1 =	spop (v2sf)  }
0x1a2: {  	s28 =	sand.u32 $0x7F, s1  }
0x1a3: {  	p2 =	slt.s32 s1, $0x1;
	p1 =	sne.s32 s28, $0x0;
	s28 =	sshra.s32 s1, $0x1F  }
0x1a4: {  	s28 =	sshrl.u32 s28, $0x19;
	p0 =	por !p2, !p1  }
0x1a5: {  	s1 =	sadd.s32 s28, s1;
	p0 =	por !p0, !p0;
	s28 =	simm.s32 $0x1  }
0x1a6: {  	s1 =	sshrl.u32 s1, $0x7;
	s28 =	simm.s32 @!p0 $0x0  }
0x1a7: {  	s1 =	ssub.s32 s1, s28  }
0x1a8: {  	(v2sf) =	vpush v2, $0x4;
	s1 =	sshll.u32 s1, $0x7  }
0x1a9: {  	s1 =	sand.u32 $0x1FFFFF80, s1  }
0x1aa: {  	s1 =	sadd.s32 s2, s1  }
0x1ab: {  	[tilespmem:s13], [sflag:$0x1] =	stream.strided.gather [hbm4b:s1+s9], $0x1000, s10, s9, $0x38;
	[tilespmem:$0x14280] =	vst v63  }
0x1ac: {  	s1 =	spop (v2sf)  }
0x1ad: {  	s28 =	sand.u32 $0x7F, s1  }
0x1ae: {  	p4 =	slt.s32 s1, $0x1;
	p3 =	sne.s32 s28, $0x0;
	s28 =	sshra.s32 s1, $0x1F  }
0x1af: {  	s28 =	sshrl.u32 s28, $0x19;
	p0 =	por !p4, !p3  }
0x1b0: {  	s1 =	sadd.s32 s28, s1;
	p0 =	por !p0, !p0;
	s28 =	simm.s32 $0x1  }
0x1b1: {  	s1 =	sshrl.u32 s1, $0x7;
	s28 =	simm.s32 @!p0 $0x0  }
0x1b2: {  	s1 =	ssub.s32 s1, s28  }
0x1b3: {  	(v2sf) =	vpush v2, $0x5;
	s1 =	sshll.u32 s1, $0x7  }
0x1b4: {  	s1 =	sand.u32 $0x1FFFFF80, s1  }
0x1b5: {  	s1 =	sadd.s32 s2, s1  }
0x1b6: {  	[tilespmem:s14], [sflag:$0x1] =	stream.strided.gather [hbm4b:s1+s9], $0x1000, s10, s9, $0x38;
	[tilespmem:$0x14280] =	vst v63  }
0x1b7: {  	s1 =	spop (v2sf)  }
0x1b8: {  	s28 =	sand.u32 $0x7F, s1  }
0x1b9: {  	p6 =	slt.s32 s1, $0x1;
	p5 =	sne.s32 s28, $0x0;
	s28 =	sshra.s32 s1, $0x1F  }
0x1ba: {  	s28 =	sshrl.u32 s28, $0x19;
	p0 =	por !p6, !p5  }
0x1bb: {  	s1 =	sadd.s32 s28, s1;
	p0 =	por !p0, !p0;
	s28 =	simm.s32 $0x1  }
0x1bc: {  	(v2sf) =	vpush v2, $0x6;
	s1 =	sshrl.u32 s1, $0x7;
	s28 =	simm.s32 @!p0 $0x0  }
0x1bd: {  	s1 =	ssub.s32 s1, s28  }
0x1be: {  	s1 =	sshll.u32 s1, $0x7  }
0x1bf: {  	s1 =	sand.u32 $0x1FFFFF80, s1  }
0x1c0: {  	s1 =	sadd.s32 s2, s1  }
0x1c1: {  	[tilespmem:s15], [sflag:$0x1] =	stream.strided.gather [hbm4b:s1+s9], $0x1000, s10, s9, $0x38;
	[tilespmem:$0x14280] =	vst v63  }
0x1c2: {  	s1 =	spop (v2sf)  }
0x1c3: {  	s28 =	sand.u32 $0x7F, s1  }
0x1c4: {  	p2 =	slt.s32 s1, $0x1;
	p1 =	sne.s32 s28, $0x0;
	s28 =	sshra.s32 s1, $0x1F  }
0x1c5: {  	s28 =	sshrl.u32 s28, $0x19;
	p0 =	por !p2, !p1  }
0x1c6: {  	s1 =	sadd.s32 s28, s1;
	p0 =	por !p0, !p0;
	s28 =	simm.s32 $0x1  }
0x1c7: {  	s1 =	sshrl.u32 s1, $0x7;
	s28 =	simm.s32 @!p0 $0x0  }
0x1c8: {  	(v2sf) =	vpush v2, $0x7;
	s1 =	ssub.s32 s1, s28  }
0x1c9: {  	s1 =	sshll.u32 s1, $0x7  }
0x1ca: {  	s1 =	sand.u32 $0x1FFFFF80, s1  }
0x1cb: {  	s28 =	spop (v2sf);
	s1 =	sadd.s32 s2, s1  }
0x1cc: {  	[tilespmem:s16], [sflag:$0x1] =	stream.strided.gather [hbm4b:s1+s9], $0x1000, s10, s9, $0x38;
	[tilespmem:$0x14280] =	vst v63  }
0x1cd: {  	s1 =	sand.u32 $0x7F, s28  }
0x1ce: {  	p4 =	slt.s32 s28, $0x1;
	p3 =	sne.s32 s1, $0x0;
	s1 =	sshra.s32 s28, $0x1F  }
0x1cf: {  	s1 =	sshrl.u32 s1, $0x19;
	p0 =	por !p4, !p3  }
0x1d0: {  	s1 =	sadd.s32 s1, s28;
	p0 =	por !p0, !p0;
	s28 =	simm.s32 $0x1  }
0x1d1: {  	s1 =	sshrl.u32 s1, $0x7;
	s28 =	simm.s32 @!p0 $0x0  }
0x1d2: {  	s1 =	ssub.s32 s1, s28  }
0x1d3: {  	s1 =	sshll.u32 s1, $0x7  }
0x1d4: {  	s1 =	sand.u32 $0x1FFFFF80, s1  }
0x1d5: {  	s1 =	sadd.s32 s2, s1  }
0x1d6: {  	[tilespmem:s17], [sflag:$0x1] =	stream.strided.gather [hbm4b:s1+s9], $0x1000, s10, s9, $0x38;
	[tilespmem:$0x14280] =	vst v63  }
0x1d7: {  	s1 =	spop (v2sf)  }
0x1d8: {  	s28 =	sand.u32 $0x7F, s1  }
0x1d9: {  	p6 =	slt.s32 s1, $0x1;
	p5 =	sne.s32 s28, $0x0;
	s28 =	sshra.s32 s1, $0x1F  }
0x1da: {  	s28 =	sshrl.u32 s28, $0x19;
	p0 =	por !p6, !p5  }
0x1db: {  	s1 =	sadd.s32 s28, s1;
	p0 =	por !p0, !p0;
	s28 =	simm.s32 $0x1  }
0x1dc: {  	s1 =	sshrl.u32 s1, $0x7;
	s28 =	simm.s32 @!p0 $0x0  }
.Ltmp5:
0x1dd: {  	s1 =	ssub.s32 s1, s28;
	(pc) =	sbr.rel .LBB2_4-.Ltmp5, $4  }
0x1de: {  	s1 =	sshll.u32 s1, $0x7  }
0x1df: {  	s1 =	sand.u32 $0x1FFFFF80, s1  }
0x1e0: {  	s1 =	sadd.s32 s2, s1  }
0x1e1: {  	[tilespmem:s18], [sflag:$0x1] =	stream.strided.gather [hbm4b:s1+s9], $0x1000, s10, s9, $0x38;
	[tilespmem:$0x14280] =	vst v63  }
.LBB2_6:
0x1e2: {  	_ =	sfence.sel $0x180000  }
0x1e3: {  	[bflag:$0x0] =	sbarrier.arrive $0xFFFF  }
0x1e4: {  	_ =	strace $0x90000047  }
0x1e5: {  	s0 =	stileid.u32;
	[bflag:$0x2] =	sbarrier.arrive $0xFFFF  }
0x1e6: {  	p0 =	sne.s32 s0, $0x0;
	s0 =	rddreg [dreg:$0x3]  }
0x1e7: {  	s0 =	sadd.s32 @!p0 $0x100000, s0  }
0x1e8: {  	[sflag:s0] =	ssyncadd.tile.s32 @!p0 $0x1;
	_ =	shalt  }
.Lfunc_end2:
_tile_overlayer_lowered:
.L_overlay_start_2:
0x1e9: {  	(tag) =	ssettag $0x2  }
0x1ea: {  	s0 =	rddreg [dreg:$0x0];
	s2 =	stileid.u32  }
0x1eb: {  	s1 =	rddreg [dreg:$0x1];
	p0 =	sne.s32 s2, $0x0  }
0x1ec: {  	s3 =	rddreg [dreg:$0x2];
	[bflag:$0x3] =	sbarrier.arrive $0xFFFF;
	s2 =	simm.s32 @!p0 $0x1C02  }
0x1ed: {  	[timem:s3], [sflag:s2] =	dma.local @!p0 [hbm:s0], s1  }
0x1ee: {  	s0 =	simm.s32 @!p0 $0x2  }
0x1ef: {  	_ =	swait.ge @!p0 [sflag:s0], s1  }
0x1f0: {  	s1 =	ssub.s32 @!p0 $0x0, s1;
	[sflag:s0] =	ssyncset.done @!p0 $0x0  }
0x1f1: {  	[sflag:s0] =	ssyncadd.s32 @!p0 s1  }
0x1f2: {  	[bflag:$0x3] =	sbarrier.arrive $0xFFFF  }
0x1f3: {  	_ =	shalt  }

</sc_bundles>
